<compile_context>
chip_gen: v7x
topology: tpu7x:2x2x1
jax: 0.10.2.dev20260603
libtpu: 0.0.44.dev20260713+nightly
codegen_flags: <defaults>
</compile_context>

<pallas_src>
import functools

import jax
import jax.numpy as jnp
from jax import lax
from jax.experimental import pallas as pl
from jax.experimental.pallas import tpu as pltpu
from jax.experimental.pallas import tpu_sc as plsc

MDIM = 4096
NLANES = 16
NCORES = 2
NSUBCORES = 16
NWORKERS = NCORES * NSUBCORES
ROWS_PER_WORKER = MDIM // NWORKERS

NCLASS = 4
ROWS_PER_CLASS = ROWS_PER_WORKER // NCLASS
STRIP = (ROWS_PER_CLASS - 1) * 128 + MDIM
CHUNKS = STRIP // NLANES


def _body(x_hbm, out_hbm, xv, yloc, sem):
    c = lax.axis_index("c")
    s = lax.axis_index("s")

    pltpu.sync_copy(x_hbm, xv)

    lanes = lax.iota(jnp.int32, 16)

    t = s * NCORES + c

    for k in range(NCLASS):
        o_min = (ROWS_PER_WORKER - 1) - t - ROWS_PER_CLASS * k

        def chunk_body(j, _, k=k, o_min=o_min):
            pos = o_min + j * NLANES + lanes - (MDIM - 1)
            idx = jnp.minimum(jnp.abs(pos), MDIM - 1)
            off = pl.multiple_of(k * STRIP + j * NLANES, NLANES)
            yloc[pl.ds(off, NLANES)] = plsc.load_gather(xv, [idx])
            return 0

        lax.fori_loop(0, CHUNKS, chunk_body, 0, unroll=8)

        def fire(u, _, k=k):
            i = t + 128 * u + ROWS_PER_CLASS * k
            src_off = pl.multiple_of(k * STRIP + 128 * (ROWS_PER_CLASS - 1 - u), 128)
            src = yloc.at[pl.ds(src_off, MDIM)]
            dst = out_hbm.at[i]
            pltpu.make_async_copy(src, dst, sem).start()
            return 0

        lax.fori_loop(0, ROWS_PER_CLASS, fire, 0)

    def drain(n, _):
        src = yloc.at[pl.ds(0, MDIM)]
        dst = out_hbm.at[t + 32 * n]
        pltpu.make_async_copy(src, dst, sem).wait()
        return 0

    lax.fori_loop(0, ROWS_PER_WORKER, drain, 0)


_fill = functools.partial(
    pl.kernel,
    out_type=jax.ShapeDtypeStruct((MDIM, MDIM), jnp.float32),
    mesh=plsc.VectorSubcoreMesh(core_axis_name="c", subcore_axis_name="s"),
    scratch_types=[
        pltpu.VMEM((MDIM,), jnp.float32),
        pltpu.VMEM((NCLASS * STRIP,), jnp.float32),
        pltpu.SemaphoreType.DMA,
    ],
    compiler_params=pltpu.CompilerParams(needs_layout_passes=False),
)(_body)


def kernel(input):
    x = input.reshape(-1)
    out2d = _fill(x)
    return out2d.reshape(1, MDIM, MDIM)

# --- scband reference (transcript-rebuilt; emitter-appended) ---
"""Pipeline reference for scband-fill-diagonals-from-array-25417616458409 (READ-ONLY COPY).

The authoritative reference and input builder live on the scoring server;
editing this copy changes nothing except your own understanding.
"""

import jax, jax.numpy as jnp
import numpy as np

M = 4096

def setup_inputs(seed: int = 0) -> dict:
    key = jax.random.key(seed)
    x = jax.random.normal(key, (M,), dtype=jnp.float32)
    return {"input": x}

def reference(input):
    # N == 1 path of FillDiagonalsFromArray: Output[i, j] = input[j - i] for j >= i,
    # then symmetrized so Output[i, j] = input[|i - j|].
    x = input.reshape(-1)
    m = x.shape[0]
    rows_np, cols_np = np.triu_indices(m)
    rows = jnp.asarray(rows_np.astype(np.int32))
    cols = jnp.asarray(cols_np.astype(np.int32))
    # flattened = concat([input[0:l] for l in m..1]) laid out over triu indices
    # is exactly input[cols - rows] (gather), same values, same order.
    flattened = x[cols - rows]
    output = jnp.zeros((m, m), dtype=jnp.float32)
    output = output.at[rows, cols].set(flattened)
    output = output[None, :, :]
    output = output + jnp.transpose(jnp.triu(output, k=1), (0, 2, 1))
    return output

if __name__ == "__main__":
    import jax
    _d = setup_inputs()
    print(jax.jit(kernel)(*tuple(_d.values())))

</pallas_src>

<mosaic_0001>
#map = affine_map<(d0, d1) -> (0)>
#map1 = affine_map<(d0, d1) -> (0, 0)>
module attributes {stable_mosaic.version = 14 : i64} {
  func.func @_body(%arg0: i32, %arg1: i32, %arg2: memref<4096xf32, #tpu.memory_space<hbm>>, %arg3: memref<4096x4096xf32, #tpu.memory_space<hbm>>, %arg4: memref<4096xf32, #tpu.memory_space<vmem>>, %arg5: memref<32256xf32, #tpu.memory_space<vmem>>, %arg6: memref<!tpu.dma_semaphore, #tpu.memory_space<semaphore_mem>>) attributes {dimension_semantics = [#tpu.dimension_semantics<core_parallel>, #tpu.dimension_semantics<subcore_parallel>], iteration_bounds = array<i64: 2, 16>, scalar_prefetch = 0 : i64, scratch_operands = 3 : i64, tpu.core_type = #tpu.core_type<sc_vector_subcore>, window_params = [{transform_indices = #map}, {transform_indices = #map1}]} {
    "tpu.region"() ({
      %run_scoped3A = tpu.sem_alloc : memref<!tpu.dma_semaphore, #tpu.memory_space<semaphore_mem>>
      tpu.enqueue_dma source(%arg2 : memref<4096xf32, #tpu.memory_space<hbm>>) target(%arg4 : memref<4096xf32, #tpu.memory_space<vmem>>) target_semaphore(%run_scoped3A : memref<!tpu.dma_semaphore, #tpu.memory_space<semaphore_mem>>)
      tpu.wait_dma2 semaphore(%run_scoped3A : memref<!tpu.dma_semaphore, #tpu.memory_space<semaphore_mem>>) src(%arg2 : memref<4096xf32, #tpu.memory_space<hbm>>) dst(%arg4 : memref<4096xf32, #tpu.memory_space<vmem>>)
      tpu.yield
    }) : () -> ()
    %iota3A = tpu.iota {dimensions = array<i32: 0>} : vector<16xi32>
    %mul3A = arith.constant 2 : i32
    %mul3A_0 = arith.muli %arg1, %mul3A : i32
    %add3A = arith.addi %mul3A_0, %arg0 : i32
    %sub3A = arith.constant 127 : i32
    %sub3A_1 = arith.subi %sub3A, %add3A : i32
    %sub3A_2 = arith.constant 0 : i32
    %sub3A_3 = arith.subi %sub3A_1, %sub3A_2 : i32
    %scan3A = arith.constant 0 : i32
    %scan3A_4 = arith.constant 0 : i32
    %scan3A_5 = arith.constant 504 : i32
    %scan3A_6 = arith.addi %scan3A_4, %scan3A_5 : i32
    %scan3A_7 = arith.constant 8 : i32
    %scan3A_8 = scf.for %scan3A_78 = %scan3A_4 to %scan3A_6 step %scan3A_7 iter_args(%scan3A_79 = %scan3A) -> (i32)  : i32 {
      %mul3A_80 = arith.constant 16 : i32
      %mul3A_81 = arith.muli %scan3A_78, %mul3A_80 : i32
      %add3A_82 = arith.addi %sub3A_3, %mul3A_81 : i32
      %add3A_83 = vector.broadcast %add3A_82 : i32 to vector<16xi32>
      %add3A_84 = arith.addi %add3A_83, %iota3A : vector<16xi32>
      %sub3A_85 = arith.constant 4095 : i32
      %sub3A_86 = vector.broadcast %sub3A_85 : i32 to vector<16xi32>
      %sub3A_87 = arith.subi %add3A_84, %sub3A_86 : vector<16xi32>
      %abs3A = math.absi %sub3A_87 : vector<16xi32>
      %min3A = arith.constant 4095 : i32
      %min3A_88 = vector.broadcast %min3A : i32 to vector<16xi32>
      %min3A_89 = arith.minsi %abs3A, %min3A_88 : vector<16xi32>
      %mul3A_90 = arith.constant 16 : i32
      %mul3A_91 = arith.muli %scan3A_78, %mul3A_90 : i32
      %add3A_92 = arith.constant 0 : i32
      %add3A_93 = arith.addi %add3A_92, %mul3A_91 : i32
      %multiple_of3A = tpu.assume_multiple %add3A_93, 16 : i32
      %gather3A = tpu.vector_load_idx %arg4[%min3A_89] : memref<4096xf32, #tpu.memory_space<vmem>>[vector<16xi32>], vector<16xf32>,
      %swap3A = arith.index_cast %multiple_of3A : i32 to index
      %swap3A_94 = tpu.vector_load %arg5[%swap3A] {strides = array<i32>} : memref<32256xf32, #tpu.memory_space<vmem>>, vector<16xf32>,
      tpu.vector_store %arg5[%swap3A], %gather3A {strides = array<i32>} : memref<32256xf32, #tpu.memory_space<vmem>>, vector<16xf32>,
      %scan3A_95 = arith.constant 0 : i32
      %scan3A_96 = arith.constant 1 : i32
      %scan3A_97 = arith.addi %scan3A_78, %scan3A_96 : i32
      %mul3A_98 = arith.constant 16 : i32
      %mul3A_99 = arith.muli %scan3A_97, %mul3A_98 : i32
      %add3A_100 = arith.addi %sub3A_3, %mul3A_99 : i32
      %add3A_101 = vector.broadcast %add3A_100 : i32 to vector<16xi32>
      %add3A_102 = arith.addi %add3A_101, %iota3A : vector<16xi32>
      %sub3A_103 = arith.constant 4095 : i32
      %sub3A_104 = vector.broadcast %sub3A_103 : i32 to vector<16xi32>
      %sub3A_105 = arith.subi %add3A_102, %sub3A_104 : vector<16xi32>
      %abs3A_106 = math.absi %sub3A_105 : vector<16xi32>
      %min3A_107 = arith.constant 4095 : i32
      %min3A_108 = vector.broadcast %min3A_107 : i32 to vector<16xi32>
      %min3A_109 = arith.minsi %abs3A_106, %min3A_108 : vector<16xi32>
      %mul3A_110 = arith.constant 16 : i32
      %mul3A_111 = arith.muli %scan3A_97, %mul3A_110 : i32
      %add3A_112 = arith.constant 0 : i32
      %add3A_113 = arith.addi %add3A_112, %mul3A_111 : i32
      %multiple_of3A_114 = tpu.assume_multiple %add3A_113, 16 : i32
      %gather3A_115 = tpu.vector_load_idx %arg4[%min3A_109] : memref<4096xf32, #tpu.memory_space<vmem>>[vector<16xi32>], vector<16xf32>,
      %swap3A_116 = arith.index_cast %multiple_of3A_114 : i32 to index
      %swap3A_117 = tpu.vector_load %arg5[%swap3A_116] {strides = array<i32>} : memref<32256xf32, #tpu.memory_space<vmem>>, vector<16xf32>,
      tpu.vector_store %arg5[%swap3A_116], %gather3A_115 {strides = array<i32>} : memref<32256xf32, #tpu.memory_space<vmem>>, vector<16xf32>,
      %scan3A_118 = arith.constant 0 : i32
      %scan3A_119 = arith.constant 2 : i32
      %scan3A_120 = arith.addi %scan3A_78, %scan3A_119 : i32
      %mul3A_121 = arith.constant 16 : i32
      %mul3A_122 = arith.muli %scan3A_120, %mul3A_121 : i32
      %add3A_123 = arith.addi %sub3A_3, %mul3A_122 : i32
      %add3A_124 = vector.broadcast %add3A_123 : i32 to vector<16xi32>
      %add3A_125 = arith.addi %add3A_124, %iota3A : vector<16xi32>
      %sub3A_126 = arith.constant 4095 : i32
      %sub3A_127 = vector.broadcast %sub3A_126 : i32 to vector<16xi32>
      %sub3A_128 = arith.subi %add3A_125, %sub3A_127 : vector<16xi32>
      %abs3A_129 = math.absi %sub3A_128 : vector<16xi32>
      %min3A_130 = arith.constant 4095 : i32
      %min3A_131 = vector.broadcast %min3A_130 : i32 to vector<16xi32>
      %min3A_132 = arith.minsi %abs3A_129, %min3A_131 : vector<16xi32>
      %mul3A_133 = arith.constant 16 : i32
      %mul3A_134 = arith.muli %scan3A_120, %mul3A_133 : i32
      %add3A_135 = arith.constant 0 : i32
      %add3A_136 = arith.addi %add3A_135, %mul3A_134 : i32
      %multiple_of3A_137 = tpu.assume_multiple %add3A_136, 16 : i32
      %gather3A_138 = tpu.vector_load_idx %arg4[%min3A_132] : memref<4096xf32, #tpu.memory_space<vmem>>[vector<16xi32>], vector<16xf32>,
      %swap3A_139 = arith.index_cast %multiple_of3A_137 : i32 to index
      %swap3A_140 = tpu.vector_load %arg5[%swap3A_139] {strides = array<i32>} : memref<32256xf32, #tpu.memory_space<vmem>>, vector<16xf32>,
      tpu.vector_store %arg5[%swap3A_139], %gather3A_138 {strides = array<i32>} : memref<32256xf32, #tpu.memory_space<vmem>>, vector<16xf32>,
      %scan3A_141 = arith.constant 0 : i32
      %scan3A_142 = arith.constant 3 : i32
      %scan3A_143 = arith.addi %scan3A_78, %scan3A_142 : i32
      %mul3A_144 = arith.constant 16 : i32
      %mul3A_145 = arith.muli %scan3A_143, %mul3A_144 : i32
      %add3A_146 = arith.addi %sub3A_3, %mul3A_145 : i32
      %add3A_147 = vector.broadcast %add3A_146 : i32 to vector<16xi32>
      %add3A_148 = arith.addi %add3A_147, %iota3A : vector<16xi32>
      %sub3A_149 = arith.constant 4095 : i32
      %sub3A_150 = vector.broadcast %sub3A_149 : i32 to vector<16xi32>
      %sub3A_151 = arith.subi %add3A_148, %sub3A_150 : vector<16xi32>
      %abs3A_152 = math.absi %sub3A_151 : vector<16xi32>
      %min3A_153 = arith.constant 4095 : i32
      %min3A_154 = vector.broadcast %min3A_153 : i32 to vector<16xi32>
      %min3A_155 = arith.minsi %abs3A_152, %min3A_154 : vector<16xi32>
      %mul3A_156 = arith.constant 16 : i32
      %mul3A_157 = arith.muli %scan3A_143, %mul3A_156 : i32
      %add3A_158 = arith.constant 0 : i32
      %add3A_159 = arith.addi %add3A_158, %mul3A_157 : i32
      %multiple_of3A_160 = tpu.assume_multiple %add3A_159, 16 : i32
      %gather3A_161 = tpu.vector_load_idx %arg4[%min3A_155] : memref<4096xf32, #tpu.memory_space<vmem>>[vector<16xi32>], vector<16xf32>,
      %swap3A_162 = arith.index_cast %multiple_of3A_160 : i32 to index
      %swap3A_163 = tpu.vector_load %arg5[%swap3A_162] {strides = array<i32>} : memref<32256xf32, #tpu.memory_space<vmem>>, vector<16xf32>,
      tpu.vector_store %arg5[%swap3A_162], %gather3A_161 {strides = array<i32>} : memref<32256xf32, #tpu.memory_space<vmem>>, vector<16xf32>,
      %scan3A_164 = arith.constant 0 : i32
      %scan3A_165 = arith.constant 4 : i32
      %scan3A_166 = arith.addi %scan3A_78, %scan3A_165 : i32
      %mul3A_167 = arith.constant 16 : i32
      %mul3A_168 = arith.muli %scan3A_166, %mul3A_167 : i32
      %add3A_169 = arith.addi %sub3A_3, %mul3A_168 : i32
      %add3A_170 = vector.broadcast %add3A_169 : i32 to vector<16xi32>
      %add3A_171 = arith.addi %add3A_170, %iota3A : vector<16xi32>
      %sub3A_172 = arith.constant 4095 : i32
      %sub3A_173 = vector.broadcast %sub3A_172 : i32 to vector<16xi32>
      %sub3A_174 = arith.subi %add3A_171, %sub3A_173 : vector<16xi32>
      %abs3A_175 = math.absi %sub3A_174 : vector<16xi32>
      %min3A_176 = arith.constant 4095 : i32
      %min3A_177 = vector.broadcast %min3A_176 : i32 to vector<16xi32>
      %min3A_178 = arith.minsi %abs3A_175, %min3A_177 : vector<16xi32>
      %mul3A_179 = arith.constant 16 : i32
      %mul3A_180 = arith.muli %scan3A_166, %mul3A_179 : i32
      %add3A_181 = arith.constant 0 : i32
      %add3A_182 = arith.addi %add3A_181, %mul3A_180 : i32
      %multiple_of3A_183 = tpu.assume_multiple %add3A_182, 16 : i32
      %gather3A_184 = tpu.vector_load_idx %arg4[%min3A_178] : memref<4096xf32, #tpu.memory_space<vmem>>[vector<16xi32>], vector<16xf32>,
      %swap3A_185 = arith.index_cast %multiple_of3A_183 : i32 to index
      %swap3A_186 = tpu.vector_load %arg5[%swap3A_185] {strides = array<i32>} : memref<32256xf32, #tpu.memory_space<vmem>>, vector<16xf32>,
      tpu.vector_store %arg5[%swap3A_185], %gather3A_184 {strides = array<i32>} : memref<32256xf32, #tpu.memory_space<vmem>>, vector<16xf32>,
      %scan3A_187 = arith.constant 0 : i32
      %scan3A_188 = arith.constant 5 : i32
      %scan3A_189 = arith.addi %scan3A_78, %scan3A_188 : i32
      %mul3A_190 = arith.constant 16 : i32
      %mul3A_191 = arith.muli %scan3A_189, %mul3A_190 : i32
      %add3A_192 = arith.addi %sub3A_3, %mul3A_191 : i32
      %add3A_193 = vector.broadcast %add3A_192 : i32 to vector<16xi32>
      %add3A_194 = arith.addi %add3A_193, %iota3A : vector<16xi32>
      %sub3A_195 = arith.constant 4095 : i32
      %sub3A_196 = vector.broadcast %sub3A_195 : i32 to vector<16xi32>
      %sub3A_197 = arith.subi %add3A_194, %sub3A_196 : vector<16xi32>
      %abs3A_198 = math.absi %sub3A_197 : vector<16xi32>
      %min3A_199 = arith.constant 4095 : i32
      %min3A_200 = vector.broadcast %min3A_199 : i32 to vector<16xi32>
      %min3A_201 = arith.minsi %abs3A_198, %min3A_200 : vector<16xi32>
      %mul3A_202 = arith.constant 16 : i32
      %mul3A_203 = arith.muli %scan3A_189, %mul3A_202 : i32
      %add3A_204 = arith.constant 0 : i32
      %add3A_205 = arith.addi %add3A_204, %mul3A_203 : i32
      %multiple_of3A_206 = tpu.assume_multiple %add3A_205, 16 : i32
      %gather3A_207 = tpu.vector_load_idx %arg4[%min3A_201] : memref<4096xf32, #tpu.memory_space<vmem>>[vector<16xi32>], vector<16xf32>,
      %swap3A_208 = arith.index_cast %multiple_of3A_206 : i32 to index
      %swap3A_209 = tpu.vector_load %arg5[%swap3A_208] {strides = array<i32>} : memref<32256xf32, #tpu.memory_space<vmem>>, vector<16xf32>,
      tpu.vector_store %arg5[%swap3A_208], %gather3A_207 {strides = array<i32>} : memref<32256xf32, #tpu.memory_space<vmem>>, vector<16xf32>,
      %scan3A_210 = arith.constant 0 : i32
      %scan3A_211 = arith.constant 6 : i32
      %scan3A_212 = arith.addi %scan3A_78, %scan3A_211 : i32
      %mul3A_213 = arith.constant 16 : i32
      %mul3A_214 = arith.muli %scan3A_212, %mul3A_213 : i32
      %add3A_215 = arith.addi %sub3A_3, %mul3A_214 : i32
      %add3A_216 = vector.broadcast %add3A_215 : i32 to vector<16xi32>
      %add3A_217 = arith.addi %add3A_216, %iota3A : vector<16xi32>
      %sub3A_218 = arith.constant 4095 : i32
      %sub3A_219 = vector.broadcast %sub3A_218 : i32 to vector<16xi32>
      %sub3A_220 = arith.subi %add3A_217, %sub3A_219 : vector<16xi32>
      %abs3A_221 = math.absi %sub3A_220 : vector<16xi32>
      %min3A_222 = arith.constant 4095 : i32
      %min3A_223 = vector.broadcast %min3A_222 : i32 to vector<16xi32>
      %min3A_224 = arith.minsi %abs3A_221, %min3A_223 : vector<16xi32>
      %mul3A_225 = arith.constant 16 : i32
      %mul3A_226 = arith.muli %scan3A_212, %mul3A_225 : i32
      %add3A_227 = arith.constant 0 : i32
      %add3A_228 = arith.addi %add3A_227, %mul3A_226 : i32
      %multiple_of3A_229 = tpu.assume_multiple %add3A_228, 16 : i32
      %gather3A_230 = tpu.vector_load_idx %arg4[%min3A_224] : memref<4096xf32, #tpu.memory_space<vmem>>[vector<16xi32>], vector<16xf32>,
      %swap3A_231 = arith.index_cast %multiple_of3A_229 : i32 to index
      %swap3A_232 = tpu.vector_load %arg5[%swap3A_231] {strides = array<i32>} : memref<32256xf32, #tpu.memory_space<vmem>>, vector<16xf32>,
      tpu.vector_store %arg5[%swap3A_231], %gather3A_230 {strides = array<i32>} : memref<32256xf32, #tpu.memory_space<vmem>>, vector<16xf32>,
      %scan3A_233 = arith.constant 0 : i32
      %scan3A_234 = arith.constant 7 : i32
      %scan3A_235 = arith.addi %scan3A_78, %scan3A_234 : i32
      %mul3A_236 = arith.constant 16 : i32
      %mul3A_237 = arith.muli %scan3A_235, %mul3A_236 : i32
      %add3A_238 = arith.addi %sub3A_3, %mul3A_237 : i32
      %add3A_239 = vector.broadcast %add3A_238 : i32 to vector<16xi32>
      %add3A_240 = arith.addi %add3A_239, %iota3A : vector<16xi32>
      %sub3A_241 = arith.constant 4095 : i32
      %sub3A_242 = vector.broadcast %sub3A_241 : i32 to vector<16xi32>
      %sub3A_243 = arith.subi %add3A_240, %sub3A_242 : vector<16xi32>
      %abs3A_244 = math.absi %sub3A_243 : vector<16xi32>
      %min3A_245 = arith.constant 4095 : i32
      %min3A_246 = vector.broadcast %min3A_245 : i32 to vector<16xi32>
      %min3A_247 = arith.minsi %abs3A_244, %min3A_246 : vector<16xi32>
      %mul3A_248 = arith.constant 16 : i32
      %mul3A_249 = arith.muli %scan3A_235, %mul3A_248 : i32
      %add3A_250 = arith.constant 0 : i32
      %add3A_251 = arith.addi %add3A_250, %mul3A_249 : i32
      %multiple_of3A_252 = tpu.assume_multiple %add3A_251, 16 : i32
      %gather3A_253 = tpu.vector_load_idx %arg4[%min3A_247] : memref<4096xf32, #tpu.memory_space<vmem>>[vector<16xi32>], vector<16xf32>,
      %swap3A_254 = arith.index_cast %multiple_of3A_252 : i32 to index
      %swap3A_255 = tpu.vector_load %arg5[%swap3A_254] {strides = array<i32>} : memref<32256xf32, #tpu.memory_space<vmem>>, vector<16xf32>,
      tpu.vector_store %arg5[%swap3A_254], %gather3A_253 {strides = array<i32>} : memref<32256xf32, #tpu.memory_space<vmem>>, vector<16xf32>,
      %scan3A_256 = arith.constant 0 : i32
      scf.yield %scan3A_256 : i32
    }
    %scan3A_9 = arith.constant 504 : i32
    %scan3A_10 = arith.constant 0 : i32
    %scan3A_11 = arith.constant 0 : i32
    %scan3A_12 = arith.constant 32 : i32
    %scan3A_13 = arith.addi %scan3A_11, %scan3A_12 : i32
    %scan3A_14 = arith.constant 1 : i32
    %scan3A_15 = scf.for %scan3A_78 = %scan3A_11 to %scan3A_13 step %scan3A_14 iter_args(%scan3A_79 = %scan3A_10) -> (i32)  : i32 {
      %mul3A_80 = arith.constant 128 : i32
      %mul3A_81 = arith.muli %mul3A_80, %scan3A_78 : i32
      %add3A_82 = arith.addi %add3A, %mul3A_81 : i32
      %add3A_83 = arith.constant 0 : i32
      %add3A_84 = arith.addi %add3A_82, %add3A_83 : i32
      %sub3A_85 = arith.constant 31 : i32
      %sub3A_86 = arith.subi %sub3A_85, %scan3A_78 : i32
      %mul3A_87 = arith.constant 128 : i32
      %mul3A_88 = arith.muli %mul3A_87, %sub3A_86 : i32
      %add3A_89 = arith.constant 0 : i32
      %add3A_90 = arith.addi %add3A_89, %mul3A_88 : i32
      %multiple_of3A = tpu.assume_multiple %add3A_90, 128 : i32
      %dma_start3A = tpu.memref_slice %arg5[%multiple_of3A] : memref<32256xf32, #tpu.memory_space<vmem>> -> memref<4096xf32, #tpu.memory_space<vmem>>
      %dma_start3A_91 = arith.constant 0 : i32
      %dma_start3A_92 = tpu.memref_slice %arg3[%add3A_84, %dma_start3A_91] : memref<4096x4096xf32, #tpu.memory_space<hbm>> -> memref<1x4096xf32, #tpu.memory_space<hbm>>
      %dma_start3A_93 = tpu.memref_squeeze %dma_start3A_92 : memref<1x4096xf32, #tpu.memory_space<hbm>> -> memref<4096xf32, #tpu.memory_space<hbm>>
      %dma_start3A_94 = arith.constant 0 : i32
      %dma_start3A_95 = tpu.memref_slice %arg3[%add3A_84, %dma_start3A_94] : memref<4096x4096xf32, #tpu.memory_space<hbm>> -> memref<1x4096xf32, #tpu.memory_space<hbm>>
      %dma_start3A_96 = tpu.memref_squeeze %dma_start3A_95 : memref<1x4096xf32, #tpu.memory_space<hbm>> -> memref<4096xf32, #tpu.memory_space<hbm>>
      %dma_start3A_97 = tpu.memref_slice %arg5[%multiple_of3A] : memref<32256xf32, #tpu.memory_space<vmem>> -> memref<4096xf32, #tpu.memory_space<vmem>>
      tpu.enqueue_dma source(%dma_start3A_97 : memref<4096xf32, #tpu.memory_space<vmem>>) target(%dma_start3A_96 : memref<4096xf32, #tpu.memory_space<hbm>>) target_semaphore(%arg6 : memref<!tpu.dma_semaphore, #tpu.memory_space<semaphore_mem>>)
      %scan3A_98 = arith.constant 0 : i32
      scf.yield %scan3A_98 : i32
    }
    %scan3A_16 = arith.constant 32 : i32
    %sub3A_17 = arith.constant 127 : i32
    %sub3A_18 = arith.subi %sub3A_17, %add3A : i32
    %sub3A_19 = arith.constant 32 : i32
    %sub3A_20 = arith.subi %sub3A_18, %sub3A_19 : i32
    %scan3A_21 = arith.constant 0 : i32
    %scan3A_22 = arith.constant 0 : i32
    %scan3A_23 = arith.constant 504 : i32
    %scan3A_24 = arith.addi %scan3A_22, %scan3A_23 : i32
    %scan3A_25 = arith.constant 8 : i32
    %scan3A_26 = scf.for %scan3A_78 = %scan3A_22 to %scan3A_24 step %scan3A_25 iter_args(%scan3A_79 = %scan3A_21) -> (i32)  : i32 {
      %mul3A_80 = arith.constant 16 : i32
      %mul3A_81 = arith.muli %scan3A_78, %mul3A_80 : i32
      %add3A_82 = arith.addi %sub3A_20, %mul3A_81 : i32
      %add3A_83 = vector.broadcast %add3A_82 : i32 to vector<16xi32>
      %add3A_84 = arith.addi %add3A_83, %iota3A : vector<16xi32>
      %sub3A_85 = arith.constant 4095 : i32
      %sub3A_86 = vector.broadcast %sub3A_85 : i32 to vector<16xi32>
      %sub3A_87 = arith.subi %add3A_84, %sub3A_86 : vector<16xi32>
      %abs3A = math.absi %sub3A_87 : vector<16xi32>
      %min3A = arith.constant 4095 : i32
      %min3A_88 = vector.broadcast %min3A : i32 to vector<16xi32>
      %min3A_89 = arith.minsi %abs3A, %min3A_88 : vector<16xi32>
      %mul3A_90 = arith.constant 16 : i32
      %mul3A_91 = arith.muli %scan3A_78, %mul3A_90 : i32
      %add3A_92 = arith.constant 8064 : i32
      %add3A_93 = arith.addi %add3A_92, %mul3A_91 : i32
      %multiple_of3A = tpu.assume_multiple %add3A_93, 16 : i32
      %gather3A = tpu.vector_load_idx %arg4[%min3A_89] : memref<4096xf32, #tpu.memory_space<vmem>>[vector<16xi32>], vector<16xf32>,
      %swap3A = arith.index_cast %multiple_of3A : i32 to index
      %swap3A_94 = tpu.vector_load %arg5[%swap3A] {strides = array<i32>} : memref<32256xf32, #tpu.memory_space<vmem>>, vector<16xf32>,
      tpu.vector_store %arg5[%swap3A], %gather3A {strides = array<i32>} : memref<32256xf32, #tpu.memory_space<vmem>>, vector<16xf32>,
      %scan3A_95 = arith.constant 0 : i32
      %scan3A_96 = arith.constant 1 : i32
      %scan3A_97 = arith.addi %scan3A_78, %scan3A_96 : i32
      %mul3A_98 = arith.constant 16 : i32
      %mul3A_99 = arith.muli %scan3A_97, %mul3A_98 : i32
      %add3A_100 = arith.addi %sub3A_20, %mul3A_99 : i32
      %add3A_101 = vector.broadcast %add3A_100 : i32 to vector<16xi32>
      %add3A_102 = arith.addi %add3A_101, %iota3A : vector<16xi32>
      %sub3A_103 = arith.constant 4095 : i32
      %sub3A_104 = vector.broadcast %sub3A_103 : i32 to vector<16xi32>
      %sub3A_105 = arith.subi %add3A_102, %sub3A_104 : vector<16xi32>
      %abs3A_106 = math.absi %sub3A_105 : vector<16xi32>
      %min3A_107 = arith.constant 4095 : i32
      %min3A_108 = vector.broadcast %min3A_107 : i32 to vector<16xi32>
      %min3A_109 = arith.minsi %abs3A_106, %min3A_108 : vector<16xi32>
      %mul3A_110 = arith.constant 16 : i32
      %mul3A_111 = arith.muli %scan3A_97, %mul3A_110 : i32
      %add3A_112 = arith.constant 8064 : i32
      %add3A_113 = arith.addi %add3A_112, %mul3A_111 : i32
      %multiple_of3A_114 = tpu.assume_multiple %add3A_113, 16 : i32
      %gather3A_115 = tpu.vector_load_idx %arg4[%min3A_109] : memref<4096xf32, #tpu.memory_space<vmem>>[vector<16xi32>], vector<16xf32>,
      %swap3A_116 = arith.index_cast %multiple_of3A_114 : i32 to index
      %swap3A_117 = tpu.vector_load %arg5[%swap3A_116] {strides = array<i32>} : memref<32256xf32, #tpu.memory_space<vmem>>, vector<16xf32>,
      tpu.vector_store %arg5[%swap3A_116], %gather3A_115 {strides = array<i32>} : memref<32256xf32, #tpu.memory_space<vmem>>, vector<16xf32>,
      %scan3A_118 = arith.constant 0 : i32
      %scan3A_119 = arith.constant 2 : i32
      %scan3A_120 = arith.addi %scan3A_78, %scan3A_119 : i32
      %mul3A_121 = arith.constant 16 : i32
      %mul3A_122 = arith.muli %scan3A_120, %mul3A_121 : i32
      %add3A_123 = arith.addi %sub3A_20, %mul3A_122 : i32
      %add3A_124 = vector.broadcast %add3A_123 : i32 to vector<16xi32>
      %add3A_125 = arith.addi %add3A_124, %iota3A : vector<16xi32>
      %sub3A_126 = arith.constant 4095 : i32
      %sub3A_127 = vector.broadcast %sub3A_126 : i32 to vector<16xi32>
      %sub3A_128 = arith.subi %add3A_125, %sub3A_127 : vector<16xi32>
      %abs3A_129 = math.absi %sub3A_128 : vector<16xi32>
      %min3A_130 = arith.constant 4095 : i32
      %min3A_131 = vector.broadcast %min3A_130 : i32 to vector<16xi32>
      %min3A_132 = arith.minsi %abs3A_129, %min3A_131 : vector<16xi32>
      %mul3A_133 = arith.constant 16 : i32
      %mul3A_134 = arith.muli %scan3A_120, %mul3A_133 : i32
      %add3A_135 = arith.constant 8064 : i32
      %add3A_136 = arith.addi %add3A_135, %mul3A_134 : i32
      %multiple_of3A_137 = tpu.assume_multiple %add3A_136, 16 : i32
      %gather3A_138 = tpu.vector_load_idx %arg4[%min3A_132] : memref<4096xf32, #tpu.memory_space<vmem>>[vector<16xi32>], vector<16xf32>,
      %swap3A_139 = arith.index_cast %multiple_of3A_137 : i32 to index
      %swap3A_140 = tpu.vector_load %arg5[%swap3A_139] {strides = array<i32>} : memref<32256xf32, #tpu.memory_space<vmem>>, vector<16xf32>,
      tpu.vector_store %arg5[%swap3A_139], %gather3A_138 {strides = array<i32>} : memref<32256xf32, #tpu.memory_space<vmem>>, vector<16xf32>,
      %scan3A_141 = arith.constant 0 : i32
      %scan3A_142 = arith.constant 3 : i32
      %scan3A_143 = arith.addi %scan3A_78, %scan3A_142 : i32
      %mul3A_144 = arith.constant 16 : i32
      %mul3A_145 = arith.muli %scan3A_143, %mul3A_144 : i32
      %add3A_146 = arith.addi %sub3A_20, %mul3A_145 : i32
      %add3A_147 = vector.broadcast %add3A_146 : i32 to vector<16xi32>
      %add3A_148 = arith.addi %add3A_147, %iota3A : vector<16xi32>
      %sub3A_149 = arith.constant 4095 : i32
      %sub3A_150 = vector.broadcast %sub3A_149 : i32 to vector<16xi32>
      %sub3A_151 = arith.subi %add3A_148, %sub3A_150 : vector<16xi32>
      %abs3A_152 = math.absi %sub3A_151 : vector<16xi32>
      %min3A_153 = arith.constant 4095 : i32
      %min3A_154 = vector.broadcast %min3A_153 : i32 to vector<16xi32>
      %min3A_155 = arith.minsi %abs3A_152, %min3A_154 : vector<16xi32>
      %mul3A_156 = arith.constant 16 : i32
      %mul3A_157 = arith.muli %scan3A_143, %mul3A_156 : i32
      %add3A_158 = arith.constant 8064 : i32
      %add3A_159 = arith.addi %add3A_158, %mul3A_157 : i32
      %multiple_of3A_160 = tpu.assume_multiple %add3A_159, 16 : i32
      %gather3A_161 = tpu.vector_load_idx %arg4[%min3A_155] : memref<4096xf32, #tpu.memory_space<vmem>>[vector<16xi32>], vector<16xf32>,
      %swap3A_162 = arith.index_cast %multiple_of3A_160 : i32 to index
      %swap3A_163 = tpu.vector_load %arg5[%swap3A_162] {strides = array<i32>} : memref<32256xf32, #tpu.memory_space<vmem>>, vector<16xf32>,
      tpu.vector_store %arg5[%swap3A_162], %gather3A_161 {strides = array<i32>} : memref<32256xf32, #tpu.memory_space<vmem>>, vector<16xf32>,
      %scan3A_164 = arith.constant 0 : i32
      %scan3A_165 = arith.constant 4 : i32
      %scan3A_166 = arith.addi %scan3A_78, %scan3A_165 : i32
      %mul3A_167 = arith.constant 16 : i32
      %mul3A_168 = arith.muli %scan3A_166, %mul3A_167 : i32
      %add3A_169 = arith.addi %sub3A_20, %mul3A_168 : i32
      %add3A_170 = vector.broadcast %add3A_169 : i32 to vector<16xi32>
      %add3A_171 = arith.addi %add3A_170, %iota3A : vector<16xi32>
      %sub3A_172 = arith.constant 4095 : i32
      %sub3A_173 = vector.broadcast %sub3A_172 : i32 to vector<16xi32>
      %sub3A_174 = arith.subi %add3A_171, %sub3A_173 : vector<16xi32>
      %abs3A_175 = math.absi %sub3A_174 : vector<16xi32>
      %min3A_176 = arith.constant 4095 : i32
      %min3A_177 = vector.broadcast %min3A_176 : i32 to vector<16xi32>
      %min3A_178 = arith.minsi %abs3A_175, %min3A_177 : vector<16xi32>
      %mul3A_179 = arith.constant 16 : i32
      %mul3A_180 = arith.muli %scan3A_166, %mul3A_179 : i32
      %add3A_181 = arith.constant 8064 : i32
      %add3A_182 = arith.addi %add3A_181, %mul3A_180 : i32
      %multiple_of3A_183 = tpu.assume_multiple %add3A_182, 16 : i32
      %gather3A_184 = tpu.vector_load_idx %arg4[%min3A_178] : memref<4096xf32, #tpu.memory_space<vmem>>[vector<16xi32>], vector<16xf32>,
      %swap3A_185 = arith.index_cast %multiple_of3A_183 : i32 to index
      %swap3A_186 = tpu.vector_load %arg5[%swap3A_185] {strides = array<i32>} : memref<32256xf32, #tpu.memory_space<vmem>>, vector<16xf32>,
      tpu.vector_store %arg5[%swap3A_185], %gather3A_184 {strides = array<i32>} : memref<32256xf32, #tpu.memory_space<vmem>>, vector<16xf32>,
      %scan3A_187 = arith.constant 0 : i32
      %scan3A_188 = arith.constant 5 : i32
      %scan3A_189 = arith.addi %scan3A_78, %scan3A_188 : i32
      %mul3A_190 = arith.constant 16 : i32
      %mul3A_191 = arith.muli %scan3A_189, %mul3A_190 : i32
      %add3A_192 = arith.addi %sub3A_20, %mul3A_191 : i32
      %add3A_193 = vector.broadcast %add3A_192 : i32 to vector<16xi32>
      %add3A_194 = arith.addi %add3A_193, %iota3A : vector<16xi32>
      %sub3A_195 = arith.constant 4095 : i32
      %sub3A_196 = vector.broadcast %sub3A_195 : i32 to vector<16xi32>
      %sub3A_197 = arith.subi %add3A_194, %sub3A_196 : vector<16xi32>
      %abs3A_198 = math.absi %sub3A_197 : vector<16xi32>
      %min3A_199 = arith.constant 4095 : i32
      %min3A_200 = vector.broadcast %min3A_199 : i32 to vector<16xi32>
      %min3A_201 = arith.minsi %abs3A_198, %min3A_200 : vector<16xi32>
      %mul3A_202 = arith.constant 16 : i32
      %mul3A_203 = arith.muli %scan3A_189, %mul3A_202 : i32
      %add3A_204 = arith.constant 8064 : i32
      %add3A_205 = arith.addi %add3A_204, %mul3A_203 : i32
      %multiple_of3A_206 = tpu.assume_multiple %add3A_205, 16 : i32
      %gather3A_207 = tpu.vector_load_idx %arg4[%min3A_201] : memref<4096xf32, #tpu.memory_space<vmem>>[vector<16xi32>], vector<16xf32>,
      %swap3A_208 = arith.index_cast %multiple_of3A_206 : i32 to index
      %swap3A_209 = tpu.vector_load %arg5[%swap3A_208] {strides = array<i32>} : memref<32256xf32, #tpu.memory_space<vmem>>, vector<16xf32>,
      tpu.vector_store %arg5[%swap3A_208], %gather3A_207 {strides = array<i32>} : memref<32256xf32, #tpu.memory_space<vmem>>, vector<16xf32>,
      %scan3A_210 = arith.constant 0 : i32
      %scan3A_211 = arith.constant 6 : i32
      %scan3A_212 = arith.addi %scan3A_78, %scan3A_211 : i32
      %mul3A_213 = arith.constant 16 : i32
      %mul3A_214 = arith.muli %scan3A_212, %mul3A_213 : i32
      %add3A_215 = arith.addi %sub3A_20, %mul3A_214 : i32
      %add3A_216 = vector.broadcast %add3A_215 : i32 to vector<16xi32>
      %add3A_217 = arith.addi %add3A_216, %iota3A : vector<16xi32>
      %sub3A_218 = arith.constant 4095 : i32
      %sub3A_219 = vector.broadcast %sub3A_218 : i32 to vector<16xi32>
      %sub3A_220 = arith.subi %add3A_217, %sub3A_219 : vector<16xi32>
      %abs3A_221 = math.absi %sub3A_220 : vector<16xi32>
      %min3A_222 = arith.constant 4095 : i32
      %min3A_223 = vector.broadcast %min3A_222 : i32 to vector<16xi32>
      %min3A_224 = arith.minsi %abs3A_221, %min3A_223 : vector<16xi32>
      %mul3A_225 = arith.constant 16 : i32
      %mul3A_226 = arith.muli %scan3A_212, %mul3A_225 : i32
      %add3A_227 = arith.constant 8064 : i32
      %add3A_228 = arith.addi %add3A_227, %mul3A_226 : i32
      %multiple_of3A_229 = tpu.assume_multiple %add3A_228, 16 : i32
      %gather3A_230 = tpu.vector_load_idx %arg4[%min3A_224] : memref<4096xf32, #tpu.memory_space<vmem>>[vector<16xi32>], vector<16xf32>,
      %swap3A_231 = arith.index_cast %multiple_of3A_229 : i32 to index
      %swap3A_232 = tpu.vector_load %arg5[%swap3A_231] {strides = array<i32>} : memref<32256xf32, #tpu.memory_space<vmem>>, vector<16xf32>,
      tpu.vector_store %arg5[%swap3A_231], %gather3A_230 {strides = array<i32>} : memref<32256xf32, #tpu.memory_space<vmem>>, vector<16xf32>,
      %scan3A_233 = arith.constant 0 : i32
      %scan3A_234 = arith.constant 7 : i32
      %scan3A_235 = arith.addi %scan3A_78, %scan3A_234 : i32
      %mul3A_236 = arith.constant 16 : i32
      %mul3A_237 = arith.muli %scan3A_235, %mul3A_236 : i32
      %add3A_238 = arith.addi %sub3A_20, %mul3A_237 : i32
      %add3A_239 = vector.broadcast %add3A_238 : i32 to vector<16xi32>
      %add3A_240 = arith.addi %add3A_239, %iota3A : vector<16xi32>
      %sub3A_241 = arith.constant 4095 : i32
      %sub3A_242 = vector.broadcast %sub3A_241 : i32 to vector<16xi32>
      %sub3A_243 = arith.subi %add3A_240, %sub3A_242 : vector<16xi32>
      %abs3A_244 = math.absi %sub3A_243 : vector<16xi32>
      %min3A_245 = arith.constant 4095 : i32
      %min3A_246 = vector.broadcast %min3A_245 : i32 to vector<16xi32>
      %min3A_247 = arith.minsi %abs3A_244, %min3A_246 : vector<16xi32>
      %mul3A_248 = arith.constant 16 : i32
      %mul3A_249 = arith.muli %scan3A_235, %mul3A_248 : i32
      %add3A_250 = arith.constant 8064 : i32
      %add3A_251 = arith.addi %add3A_250, %mul3A_249 : i32
      %multiple_of3A_252 = tpu.assume_multiple %add3A_251, 16 : i32
      %gather3A_253 = tpu.vector_load_idx %arg4[%min3A_247] : memref<4096xf32, #tpu.memory_space<vmem>>[vector<16xi32>], vector<16xf32>,
      %swap3A_254 = arith.index_cast %multiple_of3A_252 : i32 to index
      %swap3A_255 = tpu.vector_load %arg5[%swap3A_254] {strides = array<i32>} : memref<32256xf32, #tpu.memory_space<vmem>>, vector<16xf32>,
      tpu.vector_store %arg5[%swap3A_254], %gather3A_253 {strides = array<i32>} : memref<32256xf32, #tpu.memory_space<vmem>>, vector<16xf32>,
      %scan3A_256 = arith.constant 0 : i32
      scf.yield %scan3A_256 : i32
    }
    %scan3A_27 = arith.constant 504 : i32
    %scan3A_28 = arith.constant 0 : i32
    %scan3A_29 = arith.constant 0 : i32
    %scan3A_30 = arith.constant 32 : i32
    %scan3A_31 = arith.addi %scan3A_29, %scan3A_30 : i32
    %scan3A_32 = arith.constant 1 : i32
    %scan3A_33 = scf.for %scan3A_78 = %scan3A_29 to %scan3A_31 step %scan3A_32 iter_args(%scan3A_79 = %scan3A_28) -> (i32)  : i32 {
      %mul3A_80 = arith.constant 128 : i32
      %mul3A_81 = arith.muli %mul3A_80, %scan3A_78 : i32
      %add3A_82 = arith.addi %add3A, %mul3A_81 : i32
      %add3A_83 = arith.constant 32 : i32
      %add3A_84 = arith.addi %add3A_82, %add3A_83 : i32
      %sub3A_85 = arith.constant 31 : i32
      %sub3A_86 = arith.subi %sub3A_85, %scan3A_78 : i32
      %mul3A_87 = arith.constant 128 : i32
      %mul3A_88 = arith.muli %mul3A_87, %sub3A_86 : i32
      %add3A_89 = arith.constant 8064 : i32
      %add3A_90 = arith.addi %add3A_89, %mul3A_88 : i32
      %multiple_of3A = tpu.assume_multiple %add3A_90, 128 : i32
      %dma_start3A = tpu.memref_slice %arg5[%multiple_of3A] : memref<32256xf32, #tpu.memory_space<vmem>> -> memref<4096xf32, #tpu.memory_space<vmem>>
      %dma_start3A_91 = arith.constant 0 : i32
      %dma_start3A_92 = tpu.memref_slice %arg3[%add3A_84, %dma_start3A_91] : memref<4096x4096xf32, #tpu.memory_space<hbm>> -> memref<1x4096xf32, #tpu.memory_space<hbm>>
      %dma_start3A_93 = tpu.memref_squeeze %dma_start3A_92 : memref<1x4096xf32, #tpu.memory_space<hbm>> -> memref<4096xf32, #tpu.memory_space<hbm>>
      %dma_start3A_94 = arith.constant 0 : i32
      %dma_start3A_95 = tpu.memref_slice %arg3[%add3A_84, %dma_start3A_94] : memref<4096x4096xf32, #tpu.memory_space<hbm>> -> memref<1x4096xf32, #tpu.memory_space<hbm>>
      %dma_start3A_96 = tpu.memref_squeeze %dma_start3A_95 : memref<1x4096xf32, #tpu.memory_space<hbm>> -> memref<4096xf32, #tpu.memory_space<hbm>>
      %dma_start3A_97 = tpu.memref_slice %arg5[%multiple_of3A] : memref<32256xf32, #tpu.memory_space<vmem>> -> memref<4096xf32, #tpu.memory_space<vmem>>
      tpu.enqueue_dma source(%dma_start3A_97 : memref<4096xf32, #tpu.memory_space<vmem>>) target(%dma_start3A_96 : memref<4096xf32, #tpu.memory_space<hbm>>) target_semaphore(%arg6 : memref<!tpu.dma_semaphore, #tpu.memory_space<semaphore_mem>>)
      %scan3A_98 = arith.constant 0 : i32
      scf.yield %scan3A_98 : i32
    }
    %scan3A_34 = arith.constant 32 : i32
    %sub3A_35 = arith.constant 127 : i32
    %sub3A_36 = arith.subi %sub3A_35, %add3A : i32
    %sub3A_37 = arith.constant 64 : i32
    %sub3A_38 = arith.subi %sub3A_36, %sub3A_37 : i32
    %scan3A_39 = arith.constant 0 : i32
    %scan3A_40 = arith.constant 0 : i32
    %scan3A_41 = arith.constant 504 : i32
    %scan3A_42 = arith.addi %scan3A_40, %scan3A_41 : i32
    %scan3A_43 = arith.constant 8 : i32
    %scan3A_44 = scf.for %scan3A_78 = %scan3A_40 to %scan3A_42 step %scan3A_43 iter_args(%scan3A_79 = %scan3A_39) -> (i32)  : i32 {
      %mul3A_80 = arith.constant 16 : i32
      %mul3A_81 = arith.muli %scan3A_78, %mul3A_80 : i32
      %add3A_82 = arith.addi %sub3A_38, %mul3A_81 : i32
      %add3A_83 = vector.broadcast %add3A_82 : i32 to vector<16xi32>
      %add3A_84 = arith.addi %add3A_83, %iota3A : vector<16xi32>
      %sub3A_85 = arith.constant 4095 : i32
      %sub3A_86 = vector.broadcast %sub3A_85 : i32 to vector<16xi32>
      %sub3A_87 = arith.subi %add3A_84, %sub3A_86 : vector<16xi32>
      %abs3A = math.absi %sub3A_87 : vector<16xi32>
      %min3A = arith.constant 4095 : i32
      %min3A_88 = vector.broadcast %min3A : i32 to vector<16xi32>
      %min3A_89 = arith.minsi %abs3A, %min3A_88 : vector<16xi32>
      %mul3A_90 = arith.constant 16 : i32
      %mul3A_91 = arith.muli %scan3A_78, %mul3A_90 : i32
      %add3A_92 = arith.constant 16128 : i32
      %add3A_93 = arith.addi %add3A_92, %mul3A_91 : i32
      %multiple_of3A = tpu.assume_multiple %add3A_93, 16 : i32
      %gather3A = tpu.vector_load_idx %arg4[%min3A_89] : memref<4096xf32, #tpu.memory_space<vmem>>[vector<16xi32>], vector<16xf32>,
      %swap3A = arith.index_cast %multiple_of3A : i32 to index
      %swap3A_94 = tpu.vector_load %arg5[%swap3A] {strides = array<i32>} : memref<32256xf32, #tpu.memory_space<vmem>>, vector<16xf32>,
      tpu.vector_store %arg5[%swap3A], %gather3A {strides = array<i32>} : memref<32256xf32, #tpu.memory_space<vmem>>, vector<16xf32>,
      %scan3A_95 = arith.constant 0 : i32
      %scan3A_96 = arith.constant 1 : i32
      %scan3A_97 = arith.addi %scan3A_78, %scan3A_96 : i32
      %mul3A_98 = arith.constant 16 : i32
      %mul3A_99 = arith.muli %scan3A_97, %mul3A_98 : i32
      %add3A_100 = arith.addi %sub3A_38, %mul3A_99 : i32
      %add3A_101 = vector.broadcast %add3A_100 : i32 to vector<16xi32>
      %add3A_102 = arith.addi %add3A_101, %iota3A : vector<16xi32>
      %sub3A_103 = arith.constant 4095 : i32
      %sub3A_104 = vector.broadcast %sub3A_103 : i32 to vector<16xi32>
      %sub3A_105 = arith.subi %add3A_102, %sub3A_104 : vector<16xi32>
      %abs3A_106 = math.absi %sub3A_105 : vector<16xi32>
      %min3A_107 = arith.constant 4095 : i32
      %min3A_108 = vector.broadcast %min3A_107 : i32 to vector<16xi32>
      %min3A_109 = arith.minsi %abs3A_106, %min3A_108 : vector<16xi32>
      %mul3A_110 = arith.constant 16 : i32
      %mul3A_111 = arith.muli %scan3A_97, %mul3A_110 : i32
      %add3A_112 = arith.constant 16128 : i32
      %add3A_113 = arith.addi %add3A_112, %mul3A_111 : i32
      %multiple_of3A_114 = tpu.assume_multiple %add3A_113, 16 : i32
      %gather3A_115 = tpu.vector_load_idx %arg4[%min3A_109] : memref<4096xf32, #tpu.memory_space<vmem>>[vector<16xi32>], vector<16xf32>,
      %swap3A_116 = arith.index_cast %multiple_of3A_114 : i32 to index
      %swap3A_117 = tpu.vector_load %arg5[%swap3A_116] {strides = array<i32>} : memref<32256xf32, #tpu.memory_space<vmem>>, vector<16xf32>,
      tpu.vector_store %arg5[%swap3A_116], %gather3A_115 {strides = array<i32>} : memref<32256xf32, #tpu.memory_space<vmem>>, vector<16xf32>,
      %scan3A_118 = arith.constant 0 : i32
      %scan3A_119 = arith.constant 2 : i32
      %scan3A_120 = arith.addi %scan3A_78, %scan3A_119 : i32
      %mul3A_121 = arith.constant 16 : i32
      %mul3A_122 = arith.muli %scan3A_120, %mul3A_121 : i32
      %add3A_123 = arith.addi %sub3A_38, %mul3A_122 : i32
      %add3A_124 = vector.broadcast %add3A_123 : i32 to vector<16xi32>
      %add3A_125 = arith.addi %add3A_124, %iota3A : vector<16xi32>
      %sub3A_126 = arith.constant 4095 : i32
      %sub3A_127 = vector.broadcast %sub3A_126 : i32 to vector<16xi32>
      %sub3A_128 = arith.subi %add3A_125, %sub3A_127 : vector<16xi32>
      %abs3A_129 = math.absi %sub3A_128 : vector<16xi32>
      %min3A_130 = arith.constant 4095 : i32
      %min3A_131 = vector.broadcast %min3A_130 : i32 to vector<16xi32>
      %min3A_132 = arith.minsi %abs3A_129, %min3A_131 : vector<16xi32>
      %mul3A_133 = arith.constant 16 : i32
      %mul3A_134 = arith.muli %scan3A_120, %mul3A_133 : i32
      %add3A_135 = arith.constant 16128 : i32
      %add3A_136 = arith.addi %add3A_135, %mul3A_134 : i32
      %multiple_of3A_137 = tpu.assume_multiple %add3A_136, 16 : i32
      %gather3A_138 = tpu.vector_load_idx %arg4[%min3A_132] : memref<4096xf32, #tpu.memory_space<vmem>>[vector<16xi32>], vector<16xf32>,
      %swap3A_139 = arith.index_cast %multiple_of3A_137 : i32 to index
      %swap3A_140 = tpu.vector_load %arg5[%swap3A_139] {strides = array<i32>} : memref<32256xf32, #tpu.memory_space<vmem>>, vector<16xf32>,
      tpu.vector_store %arg5[%swap3A_139], %gather3A_138 {strides = array<i32>} : memref<32256xf32, #tpu.memory_space<vmem>>, vector<16xf32>,
      %scan3A_141 = arith.constant 0 : i32
      %scan3A_142 = arith.constant 3 : i32
      %scan3A_143 = arith.addi %scan3A_78, %scan3A_142 : i32
      %mul3A_144 = arith.constant 16 : i32
      %mul3A_145 = arith.muli %scan3A_143, %mul3A_144 : i32
      %add3A_146 = arith.addi %sub3A_38, %mul3A_145 : i32
      %add3A_147 = vector.broadcast %add3A_146 : i32 to vector<16xi32>
      %add3A_148 = arith.addi %add3A_147, %iota3A : vector<16xi32>
      %sub3A_149 = arith.constant 4095 : i32
      %sub3A_150 = vector.broadcast %sub3A_149 : i32 to vector<16xi32>
      %sub3A_151 = arith.subi %add3A_148, %sub3A_150 : vector<16xi32>
      %abs3A_152 = math.absi %sub3A_151 : vector<16xi32>
      %min3A_153 = arith.constant 4095 : i32
      %min3A_154 = vector.broadcast %min3A_153 : i32 to vector<16xi32>
      %min3A_155 = arith.minsi %abs3A_152, %min3A_154 : vector<16xi32>
      %mul3A_156 = arith.constant 16 : i32
      %mul3A_157 = arith.muli %scan3A_143, %mul3A_156 : i32
      %add3A_158 = arith.constant 16128 : i32
      %add3A_159 = arith.addi %add3A_158, %mul3A_157 : i32
      %multiple_of3A_160 = tpu.assume_multiple %add3A_159, 16 : i32
      %gather3A_161 = tpu.vector_load_idx %arg4[%min3A_155] : memref<4096xf32, #tpu.memory_space<vmem>>[vector<16xi32>], vector<16xf32>,
      %swap3A_162 = arith.index_cast %multiple_of3A_160 : i32 to index
      %swap3A_163 = tpu.vector_load %arg5[%swap3A_162] {strides = array<i32>} : memref<32256xf32, #tpu.memory_space<vmem>>, vector<16xf32>,
      tpu.vector_store %arg5[%swap3A_162], %gather3A_161 {strides = array<i32>} : memref<32256xf32, #tpu.memory_space<vmem>>, vector<16xf32>,
      %scan3A_164 = arith.constant 0 : i32
      %scan3A_165 = arith.constant 4 : i32
      %scan3A_166 = arith.addi %scan3A_78, %scan3A_165 : i32
      %mul3A_167 = arith.constant 16 : i32
      %mul3A_168 = arith.muli %scan3A_166, %mul3A_167 : i32
      %add3A_169 = arith.addi %sub3A_38, %mul3A_168 : i32
      %add3A_170 = vector.broadcast %add3A_169 : i32 to vector<16xi32>
      %add3A_171 = arith.addi %add3A_170, %iota3A : vector<16xi32>
      %sub3A_172 = arith.constant 4095 : i32
      %sub3A_173 = vector.broadcast %sub3A_172 : i32 to vector<16xi32>
      %sub3A_174 = arith.subi %add3A_171, %sub3A_173 : vector<16xi32>
      %abs3A_175 = math.absi %sub3A_174 : vector<16xi32>
      %min3A_176 = arith.constant 4095 : i32
      %min3A_177 = vector.broadcast %min3A_176 : i32 to vector<16xi32>
      %min3A_178 = arith.minsi %abs3A_175, %min3A_177 : vector<16xi32>
      %mul3A_179 = arith.constant 16 : i32
      %mul3A_180 = arith.muli %scan3A_166, %mul3A_179 : i32
      %add3A_181 = arith.constant 16128 : i32
      %add3A_182 = arith.addi %add3A_181, %mul3A_180 : i32
      %multiple_of3A_183 = tpu.assume_multiple %add3A_182, 16 : i32
      %gather3A_184 = tpu.vector_load_idx %arg4[%min3A_178] : memref<4096xf32, #tpu.memory_space<vmem>>[vector<16xi32>], vector<16xf32>,
      %swap3A_185 = arith.index_cast %multiple_of3A_183 : i32 to index
      %swap3A_186 = tpu.vector_load %arg5[%swap3A_185] {strides = array<i32>} : memref<32256xf32, #tpu.memory_space<vmem>>, vector<16xf32>,
      tpu.vector_store %arg5[%swap3A_185], %gather3A_184 {strides = array<i32>} : memref<32256xf32, #tpu.memory_space<vmem>>, vector<16xf32>,
      %scan3A_187 = arith.constant 0 : i32
      %scan3A_188 = arith.constant 5 : i32
      %scan3A_189 = arith.addi %scan3A_78, %scan3A_188 : i32
      %mul3A_190 = arith.constant 16 : i32
      %mul3A_191 = arith.muli %scan3A_189, %mul3A_190 : i32
      %add3A_192 = arith.addi %sub3A_38, %mul3A_191 : i32
      %add3A_193 = vector.broadcast %add3A_192 : i32 to vector<16xi32>
      %add3A_194 = arith.addi %add3A_193, %iota3A : vector<16xi32>
      %sub3A_195 = arith.constant 4095 : i32
      %sub3A_196 = vector.broadcast %sub3A_195 : i32 to vector<16xi32>
      %sub3A_197 = arith.subi %add3A_194, %sub3A_196 : vector<16xi32>
      %abs3A_198 = math.absi %sub3A_197 : vector<16xi32>
      %min3A_199 = arith.constant 4095 : i32
      %min3A_200 = vector.broadcast %min3A_199 : i32 to vector<16xi32>
      %min3A_201 = arith.minsi %abs3A_198, %min3A_200 : vector<16xi32>
      %mul3A_202 = arith.constant 16 : i32
      %mul3A_203 = arith.muli %scan3A_189, %mul3A_202 : i32
      %add3A_204 = arith.constant 16128 : i32
      %add3A_205 = arith.addi %add3A_204, %mul3A_203 : i32
      %multiple_of3A_206 = tpu.assume_multiple %add3A_205, 16 : i32
      %gather3A_207 = tpu.vector_load_idx %arg4[%min3A_201] : memref<4096xf32, #tpu.memory_space<vmem>>[vector<16xi32>], vector<16xf32>,
      %swap3A_208 = arith.index_cast %multiple_of3A_206 : i32 to index
      %swap3A_209 = tpu.vector_load %arg5[%swap3A_208] {strides = array<i32>} : memref<32256xf32, #tpu.memory_space<vmem>>, vector<16xf32>,
      tpu.vector_store %arg5[%swap3A_208], %gather3A_207 {strides = array<i32>} : memref<32256xf32, #tpu.memory_space<vmem>>, vector<16xf32>,
      %scan3A_210 = arith.constant 0 : i32
      %scan3A_211 = arith.constant 6 : i32
      %scan3A_212 = arith.addi %scan3A_78, %scan3A_211 : i32
      %mul3A_213 = arith.constant 16 : i32
      %mul3A_214 = arith.muli %scan3A_212, %mul3A_213 : i32
      %add3A_215 = arith.addi %sub3A_38, %mul3A_214 : i32
      %add3A_216 = vector.broadcast %add3A_215 : i32 to vector<16xi32>
      %add3A_217 = arith.addi %add3A_216, %iota3A : vector<16xi32>
      %sub3A_218 = arith.constant 4095 : i32
      %sub3A_219 = vector.broadcast %sub3A_218 : i32 to vector<16xi32>
      %sub3A_220 = arith.subi %add3A_217, %sub3A_219 : vector<16xi32>
      %abs3A_221 = math.absi %sub3A_220 : vector<16xi32>
      %min3A_222 = arith.constant 4095 : i32
      %min3A_223 = vector.broadcast %min3A_222 : i32 to vector<16xi32>
      %min3A_224 = arith.minsi %abs3A_221, %min3A_223 : vector<16xi32>
      %mul3A_225 = arith.constant 16 : i32
      %mul3A_226 = arith.muli %scan3A_212, %mul3A_225 : i32
      %add3A_227 = arith.constant 16128 : i32
      %add3A_228 = arith.addi %add3A_227, %mul3A_226 : i32
      %multiple_of3A_229 = tpu.assume_multiple %add3A_228, 16 : i32
      %gather3A_230 = tpu.vector_load_idx %arg4[%min3A_224] : memref<4096xf32, #tpu.memory_space<vmem>>[vector<16xi32>], vector<16xf32>,
      %swap3A_231 = arith.index_cast %multiple_of3A_229 : i32 to index
      %swap3A_232 = tpu.vector_load %arg5[%swap3A_231] {strides = array<i32>} : memref<32256xf32, #tpu.memory_space<vmem>>, vector<16xf32>,
      tpu.vector_store %arg5[%swap3A_231], %gather3A_230 {strides = array<i32>} : memref<32256xf32, #tpu.memory_space<vmem>>, vector<16xf32>,
      %scan3A_233 = arith.constant 0 : i32
      %scan3A_234 = arith.constant 7 : i32
      %scan3A_235 = arith.addi %scan3A_78, %scan3A_234 : i32
      %mul3A_236 = arith.constant 16 : i32
      %mul3A_237 = arith.muli %scan3A_235, %mul3A_236 : i32
      %add3A_238 = arith.addi %sub3A_38, %mul3A_237 : i32
      %add3A_239 = vector.broadcast %add3A_238 : i32 to vector<16xi32>
      %add3A_240 = arith.addi %add3A_239, %iota3A : vector<16xi32>
      %sub3A_241 = arith.constant 4095 : i32
      %sub3A_242 = vector.broadcast %sub3A_241 : i32 to vector<16xi32>
      %sub3A_243 = arith.subi %add3A_240, %sub3A_242 : vector<16xi32>
      %abs3A_244 = math.absi %sub3A_243 : vector<16xi32>
      %min3A_245 = arith.constant 4095 : i32
      %min3A_246 = vector.broadcast %min3A_245 : i32 to vector<16xi32>
      %min3A_247 = arith.minsi %abs3A_244, %min3A_246 : vector<16xi32>
      %mul3A_248 = arith.constant 16 : i32
      %mul3A_249 = arith.muli %scan3A_235, %mul3A_248 : i32
      %add3A_250 = arith.constant 16128 : i32
      %add3A_251 = arith.addi %add3A_250, %mul3A_249 : i32
      %multiple_of3A_252 = tpu.assume_multiple %add3A_251, 16 : i32
      %gather3A_253 = tpu.vector_load_idx %arg4[%min3A_247] : memref<4096xf32, #tpu.memory_space<vmem>>[vector<16xi32>], vector<16xf32>,
      %swap3A_254 = arith.index_cast %multiple_of3A_252 : i32 to index
      %swap3A_255 = tpu.vector_load %arg5[%swap3A_254] {strides = array<i32>} : memref<32256xf32, #tpu.memory_space<vmem>>, vector<16xf32>,
      tpu.vector_store %arg5[%swap3A_254], %gather3A_253 {strides = array<i32>} : memref<32256xf32, #tpu.memory_space<vmem>>, vector<16xf32>,
      %scan3A_256 = arith.constant 0 : i32
      scf.yield %scan3A_256 : i32
    }
    %scan3A_45 = arith.constant 504 : i32
    %scan3A_46 = arith.constant 0 : i32
    %scan3A_47 = arith.constant 0 : i32
    %scan3A_48 = arith.constant 32 : i32
    %scan3A_49 = arith.addi %scan3A_47, %scan3A_48 : i32
    %scan3A_50 = arith.constant 1 : i32
    %scan3A_51 = scf.for %scan3A_78 = %scan3A_47 to %scan3A_49 step %scan3A_50 iter_args(%scan3A_79 = %scan3A_46) -> (i32)  : i32 {
      %mul3A_80 = arith.constant 128 : i32
      %mul3A_81 = arith.muli %mul3A_80, %scan3A_78 : i32
      %add3A_82 = arith.addi %add3A, %mul3A_81 : i32
      %add3A_83 = arith.constant 64 : i32
      %add3A_84 = arith.addi %add3A_82, %add3A_83 : i32
      %sub3A_85 = arith.constant 31 : i32
      %sub3A_86 = arith.subi %sub3A_85, %scan3A_78 : i32
      %mul3A_87 = arith.constant 128 : i32
      %mul3A_88 = arith.muli %mul3A_87, %sub3A_86 : i32
      %add3A_89 = arith.constant 16128 : i32
      %add3A_90 = arith.addi %add3A_89, %mul3A_88 : i32
      %multiple_of3A = tpu.assume_multiple %add3A_90, 128 : i32
      %dma_start3A = tpu.memref_slice %arg5[%multiple_of3A] : memref<32256xf32, #tpu.memory_space<vmem>> -> memref<4096xf32, #tpu.memory_space<vmem>>
      %dma_start3A_91 = arith.constant 0 : i32
      %dma_start3A_92 = tpu.memref_slice %arg3[%add3A_84, %dma_start3A_91] : memref<4096x4096xf32, #tpu.memory_space<hbm>> -> memref<1x4096xf32, #tpu.memory_space<hbm>>
      %dma_start3A_93 = tpu.memref_squeeze %dma_start3A_92 : memref<1x4096xf32, #tpu.memory_space<hbm>> -> memref<4096xf32, #tpu.memory_space<hbm>>
      %dma_start3A_94 = arith.constant 0 : i32
      %dma_start3A_95 = tpu.memref_slice %arg3[%add3A_84, %dma_start3A_94] : memref<4096x4096xf32, #tpu.memory_space<hbm>> -> memref<1x4096xf32, #tpu.memory_space<hbm>>
      %dma_start3A_96 = tpu.memref_squeeze %dma_start3A_95 : memref<1x4096xf32, #tpu.memory_space<hbm>> -> memref<4096xf32, #tpu.memory_space<hbm>>
      %dma_start3A_97 = tpu.memref_slice %arg5[%multiple_of3A] : memref<32256xf32, #tpu.memory_space<vmem>> -> memref<4096xf32, #tpu.memory_space<vmem>>
      tpu.enqueue_dma source(%dma_start3A_97 : memref<4096xf32, #tpu.memory_space<vmem>>) target(%dma_start3A_96 : memref<4096xf32, #tpu.memory_space<hbm>>) target_semaphore(%arg6 : memref<!tpu.dma_semaphore, #tpu.memory_space<semaphore_mem>>)
      %scan3A_98 = arith.constant 0 : i32
      scf.yield %scan3A_98 : i32
    }
    %scan3A_52 = arith.constant 32 : i32
    %sub3A_53 = arith.constant 127 : i32
    %sub3A_54 = arith.subi %sub3A_53, %add3A : i32
    %sub3A_55 = arith.constant 96 : i32
    %sub3A_56 = arith.subi %sub3A_54, %sub3A_55 : i32
    %scan3A_57 = arith.constant 0 : i32
    %scan3A_58 = arith.constant 0 : i32
    %scan3A_59 = arith.constant 504 : i32
    %scan3A_60 = arith.addi %scan3A_58, %scan3A_59 : i32
    %scan3A_61 = arith.constant 8 : i32
    %scan3A_62 = scf.for %scan3A_78 = %scan3A_58 to %scan3A_60 step %scan3A_61 iter_args(%scan3A_79 = %scan3A_57) -> (i32)  : i32 {
      %mul3A_80 = arith.constant 16 : i32
      %mul3A_81 = arith.muli %scan3A_78, %mul3A_80 : i32
      %add3A_82 = arith.addi %sub3A_56, %mul3A_81 : i32
      %add3A_83 = vector.broadcast %add3A_82 : i32 to vector<16xi32>
      %add3A_84 = arith.addi %add3A_83, %iota3A : vector<16xi32>
      %sub3A_85 = arith.constant 4095 : i32
      %sub3A_86 = vector.broadcast %sub3A_85 : i32 to vector<16xi32>
      %sub3A_87 = arith.subi %add3A_84, %sub3A_86 : vector<16xi32>
      %abs3A = math.absi %sub3A_87 : vector<16xi32>
      %min3A = arith.constant 4095 : i32
      %min3A_88 = vector.broadcast %min3A : i32 to vector<16xi32>
      %min3A_89 = arith.minsi %abs3A, %min3A_88 : vector<16xi32>
      %mul3A_90 = arith.constant 16 : i32
      %mul3A_91 = arith.muli %scan3A_78, %mul3A_90 : i32
      %add3A_92 = arith.constant 24192 : i32
      %add3A_93 = arith.addi %add3A_92, %mul3A_91 : i32
      %multiple_of3A = tpu.assume_multiple %add3A_93, 16 : i32
      %gather3A = tpu.vector_load_idx %arg4[%min3A_89] : memref<4096xf32, #tpu.memory_space<vmem>>[vector<16xi32>], vector<16xf32>,
      %swap3A = arith.index_cast %multiple_of3A : i32 to index
      %swap3A_94 = tpu.vector_load %arg5[%swap3A] {strides = array<i32>} : memref<32256xf32, #tpu.memory_space<vmem>>, vector<16xf32>,
      tpu.vector_store %arg5[%swap3A], %gather3A {strides = array<i32>} : memref<32256xf32, #tpu.memory_space<vmem>>, vector<16xf32>,
      %scan3A_95 = arith.constant 0 : i32
      %scan3A_96 = arith.constant 1 : i32
      %scan3A_97 = arith.addi %scan3A_78, %scan3A_96 : i32
      %mul3A_98 = arith.constant 16 : i32
      %mul3A_99 = arith.muli %scan3A_97, %mul3A_98 : i32
      %add3A_100 = arith.addi %sub3A_56, %mul3A_99 : i32
      %add3A_101 = vector.broadcast %add3A_100 : i32 to vector<16xi32>
      %add3A_102 = arith.addi %add3A_101, %iota3A : vector<16xi32>
      %sub3A_103 = arith.constant 4095 : i32
      %sub3A_104 = vector.broadcast %sub3A_103 : i32 to vector<16xi32>
      %sub3A_105 = arith.subi %add3A_102, %sub3A_104 : vector<16xi32>
      %abs3A_106 = math.absi %sub3A_105 : vector<16xi32>
      %min3A_107 = arith.constant 4095 : i32
      %min3A_108 = vector.broadcast %min3A_107 : i32 to vector<16xi32>
      %min3A_109 = arith.minsi %abs3A_106, %min3A_108 : vector<16xi32>
      %mul3A_110 = arith.constant 16 : i32
      %mul3A_111 = arith.muli %scan3A_97, %mul3A_110 : i32
      %add3A_112 = arith.constant 24192 : i32
      %add3A_113 = arith.addi %add3A_112, %mul3A_111 : i32
      %multiple_of3A_114 = tpu.assume_multiple %add3A_113, 16 : i32
      %gather3A_115 = tpu.vector_load_idx %arg4[%min3A_109] : memref<4096xf32, #tpu.memory_space<vmem>>[vector<16xi32>], vector<16xf32>,
      %swap3A_116 = arith.index_cast %multiple_of3A_114 : i32 to index
      %swap3A_117 = tpu.vector_load %arg5[%swap3A_116] {strides = array<i32>} : memref<32256xf32, #tpu.memory_space<vmem>>, vector<16xf32>,
      tpu.vector_store %arg5[%swap3A_116], %gather3A_115 {strides = array<i32>} : memref<32256xf32, #tpu.memory_space<vmem>>, vector<16xf32>,
      %scan3A_118 = arith.constant 0 : i32
      %scan3A_119 = arith.constant 2 : i32
      %scan3A_120 = arith.addi %scan3A_78, %scan3A_119 : i32
      %mul3A_121 = arith.constant 16 : i32
      %mul3A_122 = arith.muli %scan3A_120, %mul3A_121 : i32
      %add3A_123 = arith.addi %sub3A_56, %mul3A_122 : i32
      %add3A_124 = vector.broadcast %add3A_123 : i32 to vector<16xi32>
      %add3A_125 = arith.addi %add3A_124, %iota3A : vector<16xi32>
      %sub3A_126 = arith.constant 4095 : i32
      %sub3A_127 = vector.broadcast %sub3A_126 : i32 to vector<16xi32>
      %sub3A_128 = arith.subi %add3A_125, %sub3A_127 : vector<16xi32>
      %abs3A_129 = math.absi %sub3A_128 : vector<16xi32>
      %min3A_130 = arith.constant 4095 : i32
      %min3A_131 = vector.broadcast %min3A_130 : i32 to vector<16xi32>
      %min3A_132 = arith.minsi %abs3A_129, %min3A_131 : vector<16xi32>
      %mul3A_133 = arith.constant 16 : i32
      %mul3A_134 = arith.muli %scan3A_120, %mul3A_133 : i32
      %add3A_135 = arith.constant 24192 : i32
      %add3A_136 = arith.addi %add3A_135, %mul3A_134 : i32
      %multiple_of3A_137 = tpu.assume_multiple %add3A_136, 16 : i32
      %gather3A_138 = tpu.vector_load_idx %arg4[%min3A_132] : memref<4096xf32, #tpu.memory_space<vmem>>[vector<16xi32>], vector<16xf32>,
      %swap3A_139 = arith.index_cast %multiple_of3A_137 : i32 to index
      %swap3A_140 = tpu.vector_load %arg5[%swap3A_139] {strides = array<i32>} : memref<32256xf32, #tpu.memory_space<vmem>>, vector<16xf32>,
      tpu.vector_store %arg5[%swap3A_139], %gather3A_138 {strides = array<i32>} : memref<32256xf32, #tpu.memory_space<vmem>>, vector<16xf32>,
      %scan3A_141 = arith.constant 0 : i32
      %scan3A_142 = arith.constant 3 : i32
      %scan3A_143 = arith.addi %scan3A_78, %scan3A_142 : i32
      %mul3A_144 = arith.constant 16 : i32
      %mul3A_145 = arith.muli %scan3A_143, %mul3A_144 : i32
      %add3A_146 = arith.addi %sub3A_56, %mul3A_145 : i32
      %add3A_147 = vector.broadcast %add3A_146 : i32 to vector<16xi32>
      %add3A_148 = arith.addi %add3A_147, %iota3A : vector<16xi32>
      %sub3A_149 = arith.constant 4095 : i32
      %sub3A_150 = vector.broadcast %sub3A_149 : i32 to vector<16xi32>
      %sub3A_151 = arith.subi %add3A_148, %sub3A_150 : vector<16xi32>
      %abs3A_152 = math.absi %sub3A_151 : vector<16xi32>
      %min3A_153 = arith.constant 4095 : i32
      %min3A_154 = vector.broadcast %min3A_153 : i32 to vector<16xi32>
      %min3A_155 = arith.minsi %abs3A_152, %min3A_154 : vector<16xi32>
      %mul3A_156 = arith.constant 16 : i32
      %mul3A_157 = arith.muli %scan3A_143, %mul3A_156 : i32
      %add3A_158 = arith.constant 24192 : i32
      %add3A_159 = arith.addi %add3A_158, %mul3A_157 : i32
      %multiple_of3A_160 = tpu.assume_multiple %add3A_159, 16 : i32
      %gather3A_161 = tpu.vector_load_idx %arg4[%min3A_155] : memref<4096xf32, #tpu.memory_space<vmem>>[vector<16xi32>], vector<16xf32>,
      %swap3A_162 = arith.index_cast %multiple_of3A_160 : i32 to index
      %swap3A_163 = tpu.vector_load %arg5[%swap3A_162] {strides = array<i32>} : memref<32256xf32, #tpu.memory_space<vmem>>, vector<16xf32>,
      tpu.vector_store %arg5[%swap3A_162], %gather3A_161 {strides = array<i32>} : memref<32256xf32, #tpu.memory_space<vmem>>, vector<16xf32>,
      %scan3A_164 = arith.constant 0 : i32
      %scan3A_165 = arith.constant 4 : i32
      %scan3A_166 = arith.addi %scan3A_78, %scan3A_165 : i32
      %mul3A_167 = arith.constant 16 : i32
      %mul3A_168 = arith.muli %scan3A_166, %mul3A_167 : i32
      %add3A_169 = arith.addi %sub3A_56, %mul3A_168 : i32
      %add3A_170 = vector.broadcast %add3A_169 : i32 to vector<16xi32>
      %add3A_171 = arith.addi %add3A_170, %iota3A : vector<16xi32>
      %sub3A_172 = arith.constant 4095 : i32
      %sub3A_173 = vector.broadcast %sub3A_172 : i32 to vector<16xi32>
      %sub3A_174 = arith.subi %add3A_171, %sub3A_173 : vector<16xi32>
      %abs3A_175 = math.absi %sub3A_174 : vector<16xi32>
      %min3A_176 = arith.constant 4095 : i32
      %min3A_177 = vector.broadcast %min3A_176 : i32 to vector<16xi32>
      %min3A_178 = arith.minsi %abs3A_175, %min3A_177 : vector<16xi32>
      %mul3A_179 = arith.constant 16 : i32
      %mul3A_180 = arith.muli %scan3A_166, %mul3A_179 : i32
      %add3A_181 = arith.constant 24192 : i32
      %add3A_182 = arith.addi %add3A_181, %mul3A_180 : i32
      %multiple_of3A_183 = tpu.assume_multiple %add3A_182, 16 : i32
      %gather3A_184 = tpu.vector_load_idx %arg4[%min3A_178] : memref<4096xf32, #tpu.memory_space<vmem>>[vector<16xi32>], vector<16xf32>,
      %swap3A_185 = arith.index_cast %multiple_of3A_183 : i32 to index
      %swap3A_186 = tpu.vector_load %arg5[%swap3A_185] {strides = array<i32>} : memref<32256xf32, #tpu.memory_space<vmem>>, vector<16xf32>,
      tpu.vector_store %arg5[%swap3A_185], %gather3A_184 {strides = array<i32>} : memref<32256xf32, #tpu.memory_space<vmem>>, vector<16xf32>,
      %scan3A_187 = arith.constant 0 : i32
      %scan3A_188 = arith.constant 5 : i32
      %scan3A_189 = arith.addi %scan3A_78, %scan3A_188 : i32
      %mul3A_190 = arith.constant 16 : i32
      %mul3A_191 = arith.muli %scan3A_189, %mul3A_190 : i32
      %add3A_192 = arith.addi %sub3A_56, %mul3A_191 : i32
      %add3A_193 = vector.broadcast %add3A_192 : i32 to vector<16xi32>
      %add3A_194 = arith.addi %add3A_193, %iota3A : vector<16xi32>
      %sub3A_195 = arith.constant 4095 : i32
      %sub3A_196 = vector.broadcast %sub3A_195 : i32 to vector<16xi32>
      %sub3A_197 = arith.subi %add3A_194, %sub3A_196 : vector<16xi32>
      %abs3A_198 = math.absi %sub3A_197 : vector<16xi32>
      %min3A_199 = arith.constant 4095 : i32
      %min3A_200 = vector.broadcast %min3A_199 : i32 to vector<16xi32>
      %min3A_201 = arith.minsi %abs3A_198, %min3A_200 : vector<16xi32>
      %mul3A_202 = arith.constant 16 : i32
      %mul3A_203 = arith.muli %scan3A_189, %mul3A_202 : i32
      %add3A_204 = arith.constant 24192 : i32
      %add3A_205 = arith.addi %add3A_204, %mul3A_203 : i32
      %multiple_of3A_206 = tpu.assume_multiple %add3A_205, 16 : i32
      %gather3A_207 = tpu.vector_load_idx %arg4[%min3A_201] : memref<4096xf32, #tpu.memory_space<vmem>>[vector<16xi32>], vector<16xf32>,
      %swap3A_208 = arith.index_cast %multiple_of3A_206 : i32 to index
      %swap3A_209 = tpu.vector_load %arg5[%swap3A_208] {strides = array<i32>} : memref<32256xf32, #tpu.memory_space<vmem>>, vector<16xf32>,
      tpu.vector_store %arg5[%swap3A_208], %gather3A_207 {strides = array<i32>} : memref<32256xf32, #tpu.memory_space<vmem>>, vector<16xf32>,
      %scan3A_210 = arith.constant 0 : i32
      %scan3A_211 = arith.constant 6 : i32
      %scan3A_212 = arith.addi %scan3A_78, %scan3A_211 : i32
      %mul3A_213 = arith.constant 16 : i32
      %mul3A_214 = arith.muli %scan3A_212, %mul3A_213 : i32
      %add3A_215 = arith.addi %sub3A_56, %mul3A_214 : i32
      %add3A_216 = vector.broadcast %add3A_215 : i32 to vector<16xi32>
      %add3A_217 = arith.addi %add3A_216, %iota3A : vector<16xi32>
      %sub3A_218 = arith.constant 4095 : i32
      %sub3A_219 = vector.broadcast %sub3A_218 : i32 to vector<16xi32>
      %sub3A_220 = arith.subi %add3A_217, %sub3A_219 : vector<16xi32>
      %abs3A_221 = math.absi %sub3A_220 : vector<16xi32>
      %min3A_222 = arith.constant 4095 : i32
      %min3A_223 = vector.broadcast %min3A_222 : i32 to vector<16xi32>
      %min3A_224 = arith.minsi %abs3A_221, %min3A_223 : vector<16xi32>
      %mul3A_225 = arith.constant 16 : i32
      %mul3A_226 = arith.muli %scan3A_212, %mul3A_225 : i32
      %add3A_227 = arith.constant 24192 : i32
      %add3A_228 = arith.addi %add3A_227, %mul3A_226 : i32
      %multiple_of3A_229 = tpu.assume_multiple %add3A_228, 16 : i32
      %gather3A_230 = tpu.vector_load_idx %arg4[%min3A_224] : memref<4096xf32, #tpu.memory_space<vmem>>[vector<16xi32>], vector<16xf32>,
      %swap3A_231 = arith.index_cast %multiple_of3A_229 : i32 to index
      %swap3A_232 = tpu.vector_load %arg5[%swap3A_231] {strides = array<i32>} : memref<32256xf32, #tpu.memory_space<vmem>>, vector<16xf32>,
      tpu.vector_store %arg5[%swap3A_231], %gather3A_230 {strides = array<i32>} : memref<32256xf32, #tpu.memory_space<vmem>>, vector<16xf32>,
      %scan3A_233 = arith.constant 0 : i32
      %scan3A_234 = arith.constant 7 : i32
      %scan3A_235 = arith.addi %scan3A_78, %scan3A_234 : i32
      %mul3A_236 = arith.constant 16 : i32
      %mul3A_237 = arith.muli %scan3A_235, %mul3A_236 : i32
      %add3A_238 = arith.addi %sub3A_56, %mul3A_237 : i32
      %add3A_239 = vector.broadcast %add3A_238 : i32 to vector<16xi32>
      %add3A_240 = arith.addi %add3A_239, %iota3A : vector<16xi32>
      %sub3A_241 = arith.constant 4095 : i32
      %sub3A_242 = vector.broadcast %sub3A_241 : i32 to vector<16xi32>
      %sub3A_243 = arith.subi %add3A_240, %sub3A_242 : vector<16xi32>
      %abs3A_244 = math.absi %sub3A_243 : vector<16xi32>
      %min3A_245 = arith.constant 4095 : i32
      %min3A_246 = vector.broadcast %min3A_245 : i32 to vector<16xi32>
      %min3A_247 = arith.minsi %abs3A_244, %min3A_246 : vector<16xi32>
      %mul3A_248 = arith.constant 16 : i32
      %mul3A_249 = arith.muli %scan3A_235, %mul3A_248 : i32
      %add3A_250 = arith.constant 24192 : i32
      %add3A_251 = arith.addi %add3A_250, %mul3A_249 : i32
      %multiple_of3A_252 = tpu.assume_multiple %add3A_251, 16 : i32
      %gather3A_253 = tpu.vector_load_idx %arg4[%min3A_247] : memref<4096xf32, #tpu.memory_space<vmem>>[vector<16xi32>], vector<16xf32>,
      %swap3A_254 = arith.index_cast %multiple_of3A_252 : i32 to index
      %swap3A_255 = tpu.vector_load %arg5[%swap3A_254] {strides = array<i32>} : memref<32256xf32, #tpu.memory_space<vmem>>, vector<16xf32>,
      tpu.vector_store %arg5[%swap3A_254], %gather3A_253 {strides = array<i32>} : memref<32256xf32, #tpu.memory_space<vmem>>, vector<16xf32>,
      %scan3A_256 = arith.constant 0 : i32
      scf.yield %scan3A_256 : i32
    }
    %scan3A_63 = arith.constant 504 : i32
    %scan3A_64 = arith.constant 0 : i32
    %scan3A_65 = arith.constant 0 : i32
    %scan3A_66 = arith.constant 32 : i32
    %scan3A_67 = arith.addi %scan3A_65, %scan3A_66 : i32
    %scan3A_68 = arith.constant 1 : i32
    %scan3A_69 = scf.for %scan3A_78 = %scan3A_65 to %scan3A_67 step %scan3A_68 iter_args(%scan3A_79 = %scan3A_64) -> (i32)  : i32 {
      %mul3A_80 = arith.constant 128 : i32
      %mul3A_81 = arith.muli %mul3A_80, %scan3A_78 : i32
      %add3A_82 = arith.addi %add3A, %mul3A_81 : i32
      %add3A_83 = arith.constant 96 : i32
      %add3A_84 = arith.addi %add3A_82, %add3A_83 : i32
      %sub3A_85 = arith.constant 31 : i32
      %sub3A_86 = arith.subi %sub3A_85, %scan3A_78 : i32
      %mul3A_87 = arith.constant 128 : i32
      %mul3A_88 = arith.muli %mul3A_87, %sub3A_86 : i32
      %add3A_89 = arith.constant 24192 : i32
      %add3A_90 = arith.addi %add3A_89, %mul3A_88 : i32
      %multiple_of3A = tpu.assume_multiple %add3A_90, 128 : i32
      %dma_start3A = tpu.memref_slice %arg5[%multiple_of3A] : memref<32256xf32, #tpu.memory_space<vmem>> -> memref<4096xf32, #tpu.memory_space<vmem>>
      %dma_start3A_91 = arith.constant 0 : i32
      %dma_start3A_92 = tpu.memref_slice %arg3[%add3A_84, %dma_start3A_91] : memref<4096x4096xf32, #tpu.memory_space<hbm>> -> memref<1x4096xf32, #tpu.memory_space<hbm>>
      %dma_start3A_93 = tpu.memref_squeeze %dma_start3A_92 : memref<1x4096xf32, #tpu.memory_space<hbm>> -> memref<4096xf32, #tpu.memory_space<hbm>>
      %dma_start3A_94 = arith.constant 0 : i32
      %dma_start3A_95 = tpu.memref_slice %arg3[%add3A_84, %dma_start3A_94] : memref<4096x4096xf32, #tpu.memory_space<hbm>> -> memref<1x4096xf32, #tpu.memory_space<hbm>>
      %dma_start3A_96 = tpu.memref_squeeze %dma_start3A_95 : memref<1x4096xf32, #tpu.memory_space<hbm>> -> memref<4096xf32, #tpu.memory_space<hbm>>
      %dma_start3A_97 = tpu.memref_slice %arg5[%multiple_of3A] : memref<32256xf32, #tpu.memory_space<vmem>> -> memref<4096xf32, #tpu.memory_space<vmem>>
      tpu.enqueue_dma source(%dma_start3A_97 : memref<4096xf32, #tpu.memory_space<vmem>>) target(%dma_start3A_96 : memref<4096xf32, #tpu.memory_space<hbm>>) target_semaphore(%arg6 : memref<!tpu.dma_semaphore, #tpu.memory_space<semaphore_mem>>)
      %scan3A_98 = arith.constant 0 : i32
      scf.yield %scan3A_98 : i32
    }
    %scan3A_70 = arith.constant 32 : i32
    %scan3A_71 = arith.constant 0 : i32
    %scan3A_72 = arith.constant 0 : i32
    %scan3A_73 = arith.constant 128 : i32
    %scan3A_74 = arith.addi %scan3A_72, %scan3A_73 : i32
    %scan3A_75 = arith.constant 1 : i32
    %scan3A_76 = scf.for %scan3A_78 = %scan3A_72 to %scan3A_74 step %scan3A_75 iter_args(%scan3A_79 = %scan3A_71) -> (i32)  : i32 {
      %mul3A_80 = arith.constant 32 : i32
      %mul3A_81 = arith.muli %mul3A_80, %scan3A_78 : i32
      %add3A_82 = arith.addi %add3A, %mul3A_81 : i32
      %dma_wait3A = arith.constant 0 : i32
      %dma_wait3A_83 = tpu.memref_slice %arg5[%dma_wait3A] : memref<32256xf32, #tpu.memory_space<vmem>> -> memref<4096xf32, #tpu.memory_space<vmem>>
      %dma_wait3A_84 = arith.constant 0 : i32
      %dma_wait3A_85 = tpu.memref_slice %arg3[%add3A_82, %dma_wait3A_84] : memref<4096x4096xf32, #tpu.memory_space<hbm>> -> memref<1x4096xf32, #tpu.memory_space<hbm>>
      %dma_wait3A_86 = tpu.memref_squeeze %dma_wait3A_85 : memref<1x4096xf32, #tpu.memory_space<hbm>> -> memref<4096xf32, #tpu.memory_space<hbm>>
      %dma_wait3A_87 = arith.constant 0 : i32
      %dma_wait3A_88 = tpu.memref_slice %arg3[%add3A_82, %dma_wait3A_87] : memref<4096x4096xf32, #tpu.memory_space<hbm>> -> memref<1x4096xf32, #tpu.memory_space<hbm>>
      %dma_wait3A_89 = tpu.memref_squeeze %dma_wait3A_88 : memref<1x4096xf32, #tpu.memory_space<hbm>> -> memref<4096xf32, #tpu.memory_space<hbm>>
      %dma_wait3A_90 = arith.constant 0 : i32
      %dma_wait3A_91 = tpu.memref_slice %arg5[%dma_wait3A_90] : memref<32256xf32, #tpu.memory_space<vmem>> -> memref<4096xf32, #tpu.memory_space<vmem>>
      tpu.wait_dma2 semaphore(%arg6 : memref<!tpu.dma_semaphore, #tpu.memory_space<semaphore_mem>>) src(%dma_wait3A_91 : memref<4096xf32, #tpu.memory_space<vmem>>) dst(%dma_wait3A_89 : memref<4096xf32, #tpu.memory_space<hbm>>)
      %scan3A_92 = arith.constant 0 : i32
      scf.yield %scan3A_92 : i32
    }
    %scan3A_77 = arith.constant 128 : i32
    return
  }
}

</mosaic_0001>

<sc_bundles>
// kernel: kernel.3.cloned.1.call-start
scs
__scs_entry_jumppad:
0x0: {  	(pc) =	sbr.rel $0x88, $3  }
0x1: {  	(tag) =	ssettag $0x0;
	lr =	simm.s32 $0x1  }
0x2: {  	[smem:$0x3FA0] =	sst lr;
	_ =	strace $0xD0000000  }
0x3: {  	_ = 	snop  }
0x4: {  	_ = 	snop  }
0x5: {  	_ = 	snop  }
0x6: {  	_ = 	snop  }
0x7: {  	_ = 	snop  }
__scs_overlays_trampoline_lowered:
0x8: {  	[smem:$0x3FAF] =	sst s0  }
0x9: {  	[smem:$0x3FB0] =	sst s1  }
0xa: {  	[smem:$0x3FB1] =	sst s2  }
0xb: {  	[smem:$0x3FB2] =	sst s3  }
0xc: {  	[smem:$0x3FB3] =	sst s4  }
0xd: {  	[smem:$0x3FB4] =	sst s5  }
0xe: {  	[smem:$0x3FB5] =	sst s6  }
0xf: {  	[smem:$0x3FB6] =	sst s7  }
0x10: {  	[smem:$0x3FB7] =	sst s8  }
0x11: {  	[smem:$0x3FB8] =	sst s9;
	s0 =	simm.s32 @!p0 $0x0  }
0x12: {  	s1 =	sld [smem:$0x3F9E];
	s0 =	simm.s32 @p0 $0x1  }
0x13: {  	[smem:$0x3FB9] =	sst s0;
	s0 =	simm.s32 @!p1 $0x0  }
0x14: {  	s2 =	sld [smem:$0x3F9D];
	s0 =	simm.s32 @p1 $0x1  }
0x15: {  	[smem:$0x3FBA] =	sst s0;
	s0 =	simm.s32 @!p2 $0x0  }
0x16: {  	s3 =	sld [smem:$0x3FDB];
	s0 =	simm.s32 @p2 $0x1  }
0x17: {  	s4 =	simm.s32 $0x1BF5;
	[smem:$0x3FBC] =	sst s0  }
0x18: {  	s0 =	sld [smem:$0x3F9F];
	_ =	swait.ge [sflag:s4], $0x0  }
0x19: {  	s7 =	sld [smem:$0x3FA0]  }
0x1a: {  	s8 =	sadd.s32 $0xFFFFE003, lr  }
0x1b: {  	s9 =	sadd.s32 $0xFFFFFEF7, lr;
	s5 =	simm.s32 $0xFFFFFFFF;
	p2 =	slt.u32 s8, $0xFFFFF086  }
0x1c: {  	p1 =	slt.u32 s9, $0xF7A;
	s5 =	simm.s32 @!p2 $0x0  }
0x1d: {  	s5 =	simm.s32 @p1 $0x1;
	p0 =	seq.s32 s7, s2  }
0x1e: {  	s7 =	smul.u32 @!p0 $0xF7A, s2;
	p2 =	seq.s32 @!p0 s5, $0x0  }
0x1f: {  	s9 =	smul.u32 $0xF7A, s1;
	s8 =	simm.s32 @!p0 $0x1BF5;
	p2 =	por !p2, p0  }
0x20: {  	[sflag:s8] =	ssyncset.s32 @!p0 $0xFFFFF086;
	s6 =	sadd.s32 @!p0 s3, s7;
	s7 =	simm.s32 @!p0 $0x108  }
0x21: {  	s3 =	sadd.s32 s3, s9;
	s6 =	sadd.s32 @!p0 $0x88, s6;
	s7 =	simm.s32 @p2 $0x1082  }
0x22: {  	[simem:s7], [sflag:s8] =	dma.local @!p0 [hbm:s6], $0xF7A  }
0x23: {  	s9 =	sor.u32 $0xD0000000, s2;
	s6 =	simm.s32 $0x108;
	_ =	swait.ge @!p0 [sflag:s8], $0x0  }
0x24: {  	s3 =	sadd.s32 $0x88, s3;
	s6 =	simm.s32 @!p1 $0x1082;
	[sflag:s4] =	ssyncset.s32 $0xFFFFF086  }
0x25: {  	[simem:s6], [sflag:s4] =	dma.local [hbm:s3], $0xF7A  }
0x26: {  	[smem:$0x3FA0] =	sst s1;
	(tag) =	ssettag s2;
	_ =	strace s9  }
0x27: {  	s1 =	sld [smem:$0x3FB0]  }
0x28: {  	s2 =	sld [smem:$0x3FB1]  }
0x29: {  	s4 =	sld [smem:$0x3FB3]  }
0x2a: {  	p0 =	seq.s32 s5, $0x0;
	s5 =	sld [smem:$0x3FB4]  }
0x2b: {  	s6 =	sld [smem:$0x3FB5]  }
0x2c: {  	s7 =	sld [smem:$0x3FB6]  }
0x2d: {  	s3 =	simm.s32 $0x108;
	s8 =	sld [smem:$0x3FB7]  }
0x2e: {  	s3 =	simm.s32 @!p0 $0x1082;
	s9 =	sld [smem:$0x3FB8]  }
0x2f: {  	lr =	sadd.s32 s0, s3;
	s0 =	sld [smem:$0x3FAF]  }
0x30: {  	s3 =	sld [smem:$0x3FB2]  }
0x31: {  	[smem:$0x3FBB] =	sst s10  }
0x32: {  	s10 =	sld [smem:$0x3FB9];
	_ =	sdelay $0x3  }
0x33: {  	p0 =	seq.s32 s10, $0x1;
	s10 =	sld [smem:$0x3FBB];
	_ =	sdelay $0x3  }
0x34: {  	[smem:$0x3FBB] =	sst s10  }
0x35: {  	s10 =	sld [smem:$0x3FBA];
	_ =	sdelay $0x3  }
0x36: {  	p1 =	seq.s32 s10, $0x1;
	s10 =	sld [smem:$0x3FBB];
	_ =	sdelay $0x3  }
0x37: {  	[smem:$0x3FBB] =	sst s10  }
0x38: {  	s10 =	sld [smem:$0x3FBC]  }
0x39: {  	_ = 	snop;
	(pc) =	sbr.ind lr, $3  }
0x3a: {  	_ = 	snop  }
0x3b: {  	_ = 	snop  }
0x3c: {  	p2 =	seq.s32 s10, $0x1;
	s10 =	sld [smem:$0x3FBB]  }
0x3d: {  	_ =	shalt  }
0x3e: {  	_ =	shalt  }
0x3f: {  	_ =	shalt  }
0x40: {  	_ =	shalt  }
0x41: {  	_ =	shalt  }
0x42: {  	_ =	shalt  }
0x43: {  	_ =	shalt  }
0x44: {  	_ =	shalt  }
0x45: {  	_ =	shalt  }
0x46: {  	_ =	shalt  }
0x47: {  	_ =	shalt  }
0x48: {  	_ =	shalt  }
0x49: {  	_ =	shalt  }
0x4a: {  	_ =	shalt  }
0x4b: {  	_ =	shalt  }
0x4c: {  	_ =	shalt  }
0x4d: {  	_ =	shalt  }
0x4e: {  	_ =	shalt  }
0x4f: {  	_ =	shalt  }
0x50: {  	_ =	shalt  }
0x51: {  	_ =	shalt  }
0x52: {  	_ =	shalt  }
0x53: {  	_ =	shalt  }
0x54: {  	_ =	shalt  }
0x55: {  	_ =	shalt  }
0x56: {  	_ =	shalt  }
0x57: {  	_ =	shalt  }
0x58: {  	_ =	shalt  }
0x59: {  	_ =	shalt  }
0x5a: {  	_ =	shalt  }
0x5b: {  	_ =	shalt  }
0x5c: {  	_ =	shalt  }
0x5d: {  	_ =	shalt  }
0x5e: {  	_ =	shalt  }
0x5f: {  	_ =	shalt  }
0x60: {  	_ =	shalt  }
0x61: {  	_ =	shalt  }
0x62: {  	_ =	shalt  }
0x63: {  	_ =	shalt  }
0x64: {  	_ =	shalt  }
0x65: {  	_ =	shalt  }
0x66: {  	_ =	shalt  }
0x67: {  	_ =	shalt  }
0x68: {  	_ =	shalt  }
0x69: {  	_ =	shalt  }
0x6a: {  	_ =	shalt  }
0x6b: {  	_ =	shalt  }
0x6c: {  	_ =	shalt  }
0x6d: {  	_ =	shalt  }
0x6e: {  	_ =	shalt  }
0x6f: {  	_ =	shalt  }
0x70: {  	_ =	shalt  }
0x71: {  	_ =	shalt  }
0x72: {  	_ =	shalt  }
0x73: {  	_ =	shalt  }
0x74: {  	_ =	shalt  }
0x75: {  	_ =	shalt  }
0x76: {  	_ =	shalt  }
0x77: {  	_ =	shalt  }
0x78: {  	_ =	shalt  }
0x79: {  	_ =	shalt  }
0x7a: {  	_ =	shalt  }
0x7b: {  	_ =	shalt  }
0x7c: {  	_ =	shalt  }
0x7d: {  	_ =	shalt  }
0x7e: {  	_ =	shalt  }
0x7f: {  	_ =	shalt  }
0x80: {  	_ =	shalt  }
0x81: {  	_ =	shalt  }
0x82: {  	_ =	shalt  }
0x83: {  	_ =	shalt  }
0x84: {  	_ =	shalt  }
0x85: {  	_ =	shalt  }
0x86: {  	_ =	shalt  }
0x87: {  	_ =	shalt  }
.Lfunc_end0:
.L_simem_size_0:
called_computation_lowered:
.L_overlay_start_0:
0x88: {  	s2 =	sld [smem:$0x3FD9]  }
0x89: {  	s3 =	sld [smem:$0x3FFE];
	_ =	sdelay $0x1  }
0x8a: {  	s1 =	srdreg.scid  }
0x8b: {  	s0 =	sand.u32 $0x1, s1  }
0x8c: {  	s18 =	sshll.u32 s0, $0xA;
	s2 =	sadd.s32 s3, s2  }
0x8d: {  	s2 =	sadd.s32 s2, s18  }
0x8e: {  	[smem:$0x3FC7] =	sst s2  }
0x8f: {  	_ = 	snop  }
0x90: {  	s2 =	sld [smem:$0x3FC9]  }
0x91: {  	s19 =	sld [smem:$0x3FD0];
	(tm) =	ssettm $0x1  }
0x92: {  	s4 =	sld [smem:$0x3FFB];
	_ =	sdelay $0x3  }
0x93: {  	_ =	strace s4  }
0x94: {  	s4 =	sld [smem:$0x3FFC];
	_ =	sdelay $0x3  }
0x95: {  	_ =	strace s4  }
0x96: {  	s4 =	sld [smem:$0x3FFD];
	_ =	sdelay $0x3  }
0x97: {  	_ =	strace s4  }
0x98: {  	_ =	strace $0x8FFFFFFF  }
0x99: {  	s20 =	sld [smem:$0x3FDB];
	_ =	sdelay $0x1  }
0x9a: {  	s5 =	simm.s32 $_scs_section_size  }
0x9b: {  	s6 =	simm.s32 $_size__tile_overlayer_lowered;
	s7 =	simm.s32 $_tile_overlayer_lowered  }
0x9c: {  	s23 =	simm.s32 $0x1BFF;
	s22 =	sshll.u32 s7, $0x1;
	s4 =	sadd.s32 s5, s20  }
0x9d: {  	s8 =	simm.s32 $0x0;
	s21 =	sshll.u32 s6, $0x1;
	s6 =	sadd.s32 s22, s4  }
0x9e: {  	[timem:s8], [sflag:s23] =	dma.local [hbm:s6], s21  }
0x9f: {  	_ =	swait.ge [sflag:s23], s21  }
0xa0: {  	s5 =	ssub.s32 $0x0, s21;
	[sflag:s23] =	ssyncset.done $0x0  }
0xa1: {  	[sflag:s23] =	ssyncadd.s32 s5;
	_ =	sdelay $0x1  }
0xa2: {  	s24 =	simm.s32 $0x1B8B  }
0xa3: {  	_ =	swait.ge [sflag:s24], $0x1  }
0xa4: {  	[sflag:s24] =	ssyncset.done $0x0  }
0xa5: {  	s25 =	simm.s32 $0x1B8E;
	[sflag:s24] =	ssyncadd.s32 $0xFFFFFFFF  }
0xa6: {  	s26 =	simm.s32 $execute0_lowered;
	[smem:$0x3FD2] =	sst s25  }
0xa7: {  	s5 =	sshll.u32 s26, $0x1;
	_ =	strace $0x80000046;
	[dreg:$0x1] =	wrdreg $0xFFFFFFFF  }
0xa8: {  	s28 =	simm.s32 $_size_execute0_lowered;
	s4 =	sadd.s32 s4, s5;
	[dreg:$0x0] =	wrdreg $0x0  }
0xa9: {  	s5 =	sshll.u32 s28, $0x1;
	[dreg:$0x2] =	wrdreg s4  }
0xaa: {  	[dreg:$0x3] =	wrdreg s5  }
0xab: {  	[dreg:$0x4] =	wrdreg $0xC0  }
0xac: {  	_ =	task [dreg:s8], $0x5FFFF  }
0xad: {  	[dreg:$0x1] =	wrdreg $0xFFFFFFFF  }
0xae: {  	[dreg:$0x0] =	wrdreg $0x60  }
0xaf: {  	[dreg:$0x2] =	wrdreg s2  }
0xb0: {  	[dreg:$0x3] =	wrdreg s19  }
0xb1: {  	[dreg:$0x4] =	wrdreg $0x9  }
0xb2: {  	_ =	task.clear_ibuf [dreg:s8], $0x5FFFF;
	_ =	strace $0x90000046  }
0xb3: {  	s29 =	simm.s32 $0x9;
	_ =	strace $0x80000048  }
0xb4: {  	_ =	swait.ge [sflag:s29], $0x1  }
0xb5: {  	[sflag:s29] =	ssyncadd.s32 $0xFFFFFFFF  }
0xb6: {  	_ =	strace $0x90000048  }
0xb7: {  	_ =	sfence  }
0xb8: {  	s30 =	sld [smem:$0x0];
	_ =	sdelay $0x2  }
0xb9: {  	s31 =	sshll.u32 s1, $0xD;
	s1 =	sshrl.u32 s1, $0x2  }
0xba: {  	s3 =	sand.u32 $0x4000, s31;
	s1 =	sadd.s32 s1, s30  }
0xbb: {  	s0 =	sor.u32 s3, s0;
	s1 =	sshll.u32 s1, $0x11  }
0xbc: {  	s0 =	sor.u32 s1, s0  }
0xbd: {  	s0 =	sadd.s32 $0x8F2B, s0  }
0xbe: {  	[sflag:s0] =	ssyncadd.remote.s32 $0x1  }
0xbf: {  	_ =	sfence.sel $0xFFFF  }
0xc0: {  	[dreg:$0x0] =	wrdreg $0xFFFFFFFF;
	(pc) =	sbr.abs _section_cstart, $3  }
0xc1: {  	[dreg:$0x1] =	wrdreg $0xFFFFFFFF  }
0xc2: {  	_ =	task.clear_ibuf [dreg:s8], $0x2FFFF;
	_ =	strace $0x9FFFFFFF  }
0xc3: {  	(tm) =	ssettm $0x7FFFFFFF  }
tec
execute0_lowered:
.L_overlay_start_1:
0x0: {  	(tag) =	ssettag $0x1  }
0x1: {  	s1 =	rddreg [dreg:$0x0]  }
0x2: {  	s0 =	srdreg.scid;
	s6 =	rddreg [dreg:$0x1];
	s3 =	simm.s32 $0x0  }
0x3: {  	s2 =	stileid.u32;
	s13 =	simm.s32 $0x2;
	s14 =	simm.s32 $0x80  }
0x4: {  	s15 =	simm.s32 $0x400;
	s5 =	sand.u32 $0x1, s0;
	s0 =	rddreg [dreg:$0x2]  }
0x5: {  	s16 =	simm.s32 $0x1;
	s17 =	simm.s32 $0x0;
	[smem:$0x7FF] =	sst s3  }
0x6: {  	s29 =	sshll.u32 s2, $0x1;
	s8 =	sshll.u32 s2, $0xA;
	s9 =	sshll.u32 s2, $0x5  }
0x7: {  	s4 =	ssub.s32 $0x2, s5;
	_ =	strace $0x80000047;
	s10 =	sshll.u32 s5, $0x4  }
0x8: {  	s8 =	sand.u32 $0x3000, s8;
	s5 =	sor.u32 s29, s5;
	s7 =	sshrl.u32 s4, $0x1  }
0x9: {  	s9 =	sor.u32 s10, s9;
	s30 =	sadd.s32 s8, s6;
	s6 =	ssub.s32 $0x0, s5  }
0xa: {  	s8 =	ssub.s32 $0xCF, s5;
	s4 =	ssub.s32 s4, s7;
	s31 =	sand.u32 $0x70, s9  }
0xb: {  	v0 =	vlaneseq.u32;
	s11 =	ssub.s32 $0x8F, s5;
	s4 =	smax.u32 s4, $0x1;
	s7 =	sadd.s32 s31, s30  }
0xc: {  	v0 =	vadd.s32 $0xFFFFF001, v0;
	s9 =	sadd.s32 $0x4000, s7;
	s10 =	sadd.s32 $0x8000, s7;
	s12 =	sadd.s32 $0xC000, s7  }
.LBB2_1:
0xd: {  	s18 =	sadd.s32 $0x0, s5  }
0xe: {  	s18 =	sxor.u32 $0x7F, s18  }
0xf: {  	v1 =	vadd.s32 s18, v0  }
0x10: {  	v2 =	vsub.s32 $0x0, v1  }
0x11: {  	v1 =	vmin.u32 v1, v2  }
0x12: {  	[tilespmem:s3], [sflag:$0x2] =	stream.linear.gather [hbm4b:s1+s3], $0x1000, $0x38;
	vm0 =	vlt.s32 v1, $0xFFF;
	[tilespmem:$0x8E00] =	vst v63  }
0x13: {  	s19 =	sadd.s32 $0x0, s6;
	v1 =	vnsel vm0, $0xFFF, v1  }
0x14: {  	s26 =	sadd.s32 $0x8F, s19  }
0x15: {  	_ =	swait.ge [sflag:s13], $0x1000;
	v2 =	vadd.s32 s26, v0  }
0x16: {  	[sflag:s13] =	ssyncset.done $0x0;
	v3 =	vsub.s32 $0x0, v2  }
0x17: {  	[sflag:s13] =	ssyncadd.s32 $0xFFFFF000;
	v2 =	vmin.u32 v2, v3  }
0x18: {  	vm9 =	vlt.s32 v2, $0xFFF;
	v1 =	vld.idx.msk [tilespmem:v1+s3+$0x0], $0xffff  }
0x19: {  	v2 =	vnsel vm9, $0xFFF, v2  }
0x1a: {  	s28 =	sadd.s32 $0x9F, s19  }
0x1b: {  	v3 =	vadd.s32 s28, v0  }
0x1c: {  	s18 =	simm.s32 $0x1040;
	v4 =	vsub.s32 $0x0, v3  }
0x1d: {  	[tilespmem:s18+$0xFFFFFFC0] =	vst v1;
	v1 =	vmin.u32 v3, v4  }
0x1e: {  	v2 =	vld.idx.msk [tilespmem:v2+s3+$0x0], $0xffff;
	vm10 =	vlt.s32 v1, $0xFFF  }
0x1f: {  	v1 =	vnsel vm10, $0xFFF, v1  }
0x20: {  	s20 =	sadd.s32 $0xAF, s19  }
0x21: {  	v3 =	vadd.s32 s20, v0  }
0x22: {  	v59 =	vsub.s32 $0x0, v3  }
0x23: {  	[tilespmem:s18+$0xFFFFFFD0] =	vst v2;
	v2 =	vmin.u32 v3, v59  }
0x24: {  	v1 =	vld.idx.msk [tilespmem:v1+s3+$0x0], $0xffff;
	vm11 =	vlt.s32 v2, $0xFFF  }
0x25: {  	v2 =	vnsel vm11, $0xFFF, v2  }
0x26: {  	s29 =	sadd.s32 $0xBF, s19  }
0x27: {  	v3 =	vadd.s32 s29, v0  }
0x28: {  	v60 =	vsub.s32 $0x0, v3  }
0x29: {  	[tilespmem:s18+$0xFFFFFFE0] =	vst v1;
	v1 =	vmin.u32 v3, v60  }
0x2a: {  	v2 =	vld.idx.msk [tilespmem:v2+s3+$0x0], $0xffff;
	vm12 =	vlt.s32 v1, $0xFFF  }
0x2b: {  	v1 =	vnsel vm12, $0xFFF, v1  }
0x2c: {  	s30 =	sadd.s32 $0xCF, s19  }
0x2d: {  	v3 =	vadd.s32 s30, v0  }
0x2e: {  	v61 =	vsub.s32 $0x0, v3  }
0x2f: {  	[tilespmem:s18+$0xFFFFFFF0] =	vst v2;
	v2 =	vmin.u32 v3, v61  }
0x30: {  	v1 =	vld.idx.msk [tilespmem:v1+s3+$0x0], $0xffff;
	vm13 =	vlt.s32 v2, $0xFFF  }
0x31: {  	v2 =	vnsel vm13, $0xFFF, v2  }
0x32: {  	s31 =	sadd.s32 $0xDF, s19  }
0x33: {  	v3 =	vadd.s32 s31, v0  }
0x34: {  	v62 =	vsub.s32 $0x0, v3  }
0x35: {  	[tilespmem:s18+$0x0] =	vst v1;
	v1 =	vmin.u32 v3, v62  }
0x36: {  	v2 =	vld.idx.msk [tilespmem:v2+s3+$0x0], $0xffff;
	vm14 =	vlt.s32 v1, $0xFFF  }
0x37: {  	v1 =	vnsel vm14, $0xFFF, v1  }
0x38: {  	s19 =	sadd.s32 $0xEF, s19  }
0x39: {  	v3 =	vadd.s32 s19, v0  }
0x3a: {  	v63 =	vsub.s32 $0x0, v3  }
0x3b: {  	v3 =	vmin.u32 v3, v63;
	[tilespmem:s18+$0x10] =	vst v2  }
0x3c: {  	vm15 =	vlt.s32 v3, $0xFFF;
	v1 =	vld.idx.msk [tilespmem:v1+s3+$0x0], $0xffff  }
0x3d: {  	s20 =	simm.s32 $0x80;
	s19 =	simm.s32 $0x0;
	v2 =	vnsel vm15, $0xFFF, v3  }
.LBB2_2:
0x3e: {  	s21 =	sadd.s32 s20, s5;
	s19 =	sadd.s32 $0x8, s19  }
0x3f: {  	s21 =	sxor.u32 $0x7F, s21;
	p0 =	slt.u32 s19, $0x1F0  }
0x40: {  	v3 =	vadd.s32 s21, v0  }
0x41: {  	v4 =	vsub.s32 $0x0, v3;
	[tilespmem:s18+$0x20] =	vst v1  }
0x42: {  	v1 =	vmin.u32 v3, v4;
	v2 =	vld.idx.msk [tilespmem:v2+s3+$0x0], $0xffff  }
0x43: {  	vm0 =	vlt.s32 v1, $0xFFF  }
0x44: {  	v1 =	vnsel vm0, $0xFFF, v1  }
0x45: {  	s22 =	sadd.s32 s20, s6  }
0x46: {  	s21 =	sadd.s32 $0x8F, s22  }
0x47: {  	v3 =	vadd.s32 s21, v0  }
0x48: {  	s21 =	simm.s32 $0x3E00;
	v4 =	vsub.s32 $0x0, v3;
	[tilespmem:s18+$0x30] =	vst v2  }
0x49: {  	v2 =	vmin.u32 v3, v4;
	v1 =	vld.idx.msk [tilespmem:v1+s3+$0x0], $0xffff  }
0x4a: {  	vm0 =	vlt.s32 v2, $0xFFF  }
0x4b: {  	v2 =	vnsel vm0, $0xFFF, v2;
	_ =	sdelay $0x1  }
0x4c: {  	s23 =	sadd.s32 $0x9F, s22  }
0x4d: {  	v3 =	vadd.s32 s23, v0;
	s18 =	sadd.s32 $0x80, s18  }
0x4e: {  	[tilespmem:s18+$0xFFFFFFC0] =	vst v1;
	v1 =	vsub.s32 $0x0, v3  }
0x4f: {  	v2 =	vld.idx.msk [tilespmem:v2+s3+$0x0], $0xffff;
	v1 =	vmin.u32 v3, v1  }
0x50: {  	vm0 =	vlt.s32 v1, $0xFFF  }
0x51: {  	v1 =	vnsel vm0, $0xFFF, v1;
	_ =	sdelay $0x1  }
0x52: {  	s23 =	sadd.s32 $0xAF, s22  }
0x53: {  	v3 =	vadd.s32 s23, v0  }
0x54: {  	[tilespmem:s18+$0xFFFFFFD0] =	vst v2;
	v2 =	vsub.s32 $0x0, v3  }
0x55: {  	v1 =	vld.idx.msk [tilespmem:v1+s3+$0x0], $0xffff;
	v2 =	vmin.u32 v3, v2  }
0x56: {  	vm0 =	vlt.s32 v2, $0xFFF  }
0x57: {  	v2 =	vnsel vm0, $0xFFF, v2;
	_ =	sdelay $0x1  }
0x58: {  	s23 =	sadd.s32 $0xBF, s22  }
0x59: {  	v3 =	vadd.s32 s23, v0  }
0x5a: {  	[tilespmem:s18+$0xFFFFFFE0] =	vst v1;
	v1 =	vsub.s32 $0x0, v3  }
0x5b: {  	v2 =	vld.idx.msk [tilespmem:v2+s3+$0x0], $0xffff;
	v1 =	vmin.u32 v3, v1  }
0x5c: {  	vm0 =	vlt.s32 v1, $0xFFF  }
0x5d: {  	v1 =	vnsel vm0, $0xFFF, v1;
	_ =	sdelay $0x1  }
0x5e: {  	s23 =	sadd.s32 $0xCF, s22  }
0x5f: {  	v3 =	vadd.s32 s23, v0  }
0x60: {  	[tilespmem:s18+$0xFFFFFFF0] =	vst v2;
	v2 =	vsub.s32 $0x0, v3  }
0x61: {  	v1 =	vld.idx.msk [tilespmem:v1+s3+$0x0], $0xffff;
	v2 =	vmin.u32 v3, v2  }
0x62: {  	vm0 =	vlt.s32 v2, $0xFFF  }
0x63: {  	v2 =	vnsel vm0, $0xFFF, v2;
	_ =	sdelay $0x1  }
0x64: {  	s23 =	sadd.s32 $0xDF, s22  }
0x65: {  	v3 =	vadd.s32 s23, v0  }
0x66: {  	[tilespmem:s18+$0x0] =	vst v1;
	v1 =	vsub.s32 $0x0, v3  }
0x67: {  	v2 =	vld.idx.msk [tilespmem:v2+s3+$0x0], $0xffff;
	v1 =	vmin.u32 v3, v1  }
0x68: {  	vm0 =	vlt.s32 v1, $0xFFF  }
0x69: {  	v1 =	vnsel vm0, $0xFFF, v1;
	_ =	sdelay $0x1  }
0x6a: {  	s22 =	sadd.s32 $0xEF, s22  }
.Ltmp0:
0x6b: {  	v3 =	vadd.s32 s22, v0;
	(pc) =	sbr.rel @p0 .LBB2_2-.Ltmp0, $4  }
0x6c: {  	[tilespmem:s18+$0x10] =	vst v2;
	v2 =	vsub.s32 $0x0, v3  }
0x6d: {  	v1 =	vld.idx.msk [tilespmem:v1+s3+$0x0], $0xffff;
	v2 =	vmin.u32 v3, v2  }
0x6e: {  	vm0 =	vlt.s32 v2, $0xFFF  }
0x6f: {  	s20 =	sadd.s32 $0x80, s20;
	v2 =	vnsel vm0, $0xFFF, v2  }
0x70: {  	_ =	sdelay $0x2  }
0x71: {  	[tilespmem:s18+$0x20] =	vst v1  }
0x72: {  	v1 =	vld.idx.msk [tilespmem:v2+s3+$0x0], $0xffff;
	_ =	sdelay $0x4  }
0x73: {  	[tilespmem:s18+$0x30] =	vst v1;
	s18 =	smov.u32 s7  }
.LBB2_4:
0x74: {  	p0 =	sne.s32 s21, $0x0  }
.Ltmp1:
0x75: {  	_ = 	snop;
	(pc) =	sbr.rel @p0 .LBB2_4-.Ltmp1, $4  }
0x76: {  	s19 =	sshra.s32 s21, $0x2  }
0x77: {  	s19 =	sadd.s32 $0x1000, s19  }
0x78: {  	[hbm4b:s18+s14] =	stream.strided.scatter [tilespmem:s19], [sflag:$0x1], $0x1000, s15, s14, $0x38;
	[tilespmem:$0x8E00] =	vst v63  }
0x79: {  	s21 =	sadd.s32 $0xFFFFFE00, s21;
	s18 =	sadd.s32 $0x10000, s18  }
0x7a: {  	s18 =	sadd.s32 $0xFFFFFF90, s8  }
0x7b: {  	v1 =	vadd.s32 s18, v0  }
0x7c: {  	v2 =	vsub.s32 $0x0, v1  }
0x7d: {  	v1 =	vmin.u32 v1, v2  }
0x7e: {  	vm0 =	vlt.s32 v1, $0xFFF  }
0x7f: {  	v1 =	vnsel vm0, $0xFFF, v1  }
0x80: {  	s26 =	sadd.s32 $0xFFFFFFA0, s8  }
0x81: {  	v2 =	vadd.s32 s26, v0  }
0x82: {  	v3 =	vsub.s32 $0x0, v2  }
0x83: {  	v2 =	vmin.u32 v2, v3  }
0x84: {  	vm9 =	vlt.s32 v2, $0xFFF;
	v1 =	vld.idx.msk [tilespmem:v1+s3+$0x0], $0xffff  }
0x85: {  	v2 =	vnsel vm9, $0xFFF, v2  }
0x86: {  	s28 =	sadd.s32 $0xFFFFFFB0, s8  }
0x87: {  	v3 =	vadd.s32 s28, v0  }
0x88: {  	s18 =	simm.s32 $0x2FF0;
	v4 =	vsub.s32 $0x0, v3  }
0x89: {  	[tilespmem:s18+$0xFFFFFF90] =	vst v1;
	v1 =	vmin.u32 v3, v4  }
0x8a: {  	v2 =	vld.idx.msk [tilespmem:v2+s3+$0x0], $0xffff;
	vm10 =	vlt.s32 v1, $0xFFF  }
0x8b: {  	v1 =	vnsel vm10, $0xFFF, v1  }
0x8c: {  	s19 =	sadd.s32 $0xFFFFFFC0, s8  }
0x8d: {  	v3 =	vadd.s32 s19, v0  }
0x8e: {  	v59 =	vsub.s32 $0x0, v3  }
0x8f: {  	[tilespmem:s18+$0xFFFFFFA0] =	vst v2;
	v2 =	vmin.u32 v3, v59  }
0x90: {  	v1 =	vld.idx.msk [tilespmem:v1+s3+$0x0], $0xffff;
	vm11 =	vlt.s32 v2, $0xFFF  }
0x91: {  	v2 =	vnsel vm11, $0xFFF, v2  }
0x92: {  	s29 =	sadd.s32 $0xFFFFFFD0, s8  }
0x93: {  	v3 =	vadd.s32 s29, v0  }
0x94: {  	v60 =	vsub.s32 $0x0, v3  }
0x95: {  	[tilespmem:s18+$0xFFFFFFB0] =	vst v1;
	v1 =	vmin.u32 v3, v60  }
0x96: {  	v2 =	vld.idx.msk [tilespmem:v2+s3+$0x0], $0xffff;
	vm12 =	vlt.s32 v1, $0xFFF  }
0x97: {  	v1 =	vnsel vm12, $0xFFF, v1  }
0x98: {  	s30 =	sadd.s32 $0xFFFFFFE0, s8  }
0x99: {  	v3 =	vadd.s32 s30, v0  }
0x9a: {  	v61 =	vsub.s32 $0x0, v3  }
0x9b: {  	[tilespmem:s18+$0xFFFFFFC0] =	vst v2;
	v2 =	vmin.u32 v3, v61  }
0x9c: {  	v1 =	vld.idx.msk [tilespmem:v1+s3+$0x0], $0xffff;
	vm13 =	vlt.s32 v2, $0xFFF  }
0x9d: {  	v2 =	vnsel vm13, $0xFFF, v2  }
0x9e: {  	s31 =	sadd.s32 $0xFFFFFFF0, s8  }
0x9f: {  	v3 =	vadd.s32 s31, v0  }
0xa0: {  	v62 =	vsub.s32 $0x0, v3  }
0xa1: {  	[tilespmem:s18+$0xFFFFFFD0] =	vst v1;
	v1 =	vmin.u32 v3, v62  }
0xa2: {  	v2 =	vld.idx.msk [tilespmem:v2+s3+$0x0], $0xffff;
	vm14 =	vlt.s32 v1, $0xFFF  }
0xa3: {  	v1 =	vnsel vm14, $0xFFF, v1;
	_ =	sdelay $0x1  }
0xa4: {  	v3 =	vadd.s32 s8, v0  }
0xa5: {  	v63 =	vsub.s32 $0x0, v3  }
0xa6: {  	v3 =	vmin.u32 v3, v63;
	[tilespmem:s18+$0xFFFFFFE0] =	vst v2  }
0xa7: {  	vm15 =	vlt.s32 v3, $0xFFF;
	v1 =	vld.idx.msk [tilespmem:v1+s3+$0x0], $0xffff  }
0xa8: {  	v2 =	vnsel vm15, $0xFFF, v3  }
0xa9: {  	s20 =	sadd.s32 $0x80, s8;
	s19 =	simm.s32 $0x0  }
.LBB2_6:
0xaa: {  	s21 =	sadd.s32 $0xFFFFFF90, s20;
	s19 =	sadd.s32 $0x8, s19  }
0xab: {  	v3 =	vadd.s32 s21, v0;
	p0 =	slt.u32 s19, $0x1F0  }
0xac: {  	v4 =	vsub.s32 $0x0, v3;
	[tilespmem:s18+$0xFFFFFFF0] =	vst v1  }
0xad: {  	v1 =	vmin.u32 v3, v4;
	v2 =	vld.idx.msk [tilespmem:v2+s3+$0x0], $0xffff  }
0xae: {  	vm0 =	vlt.s32 v1, $0xFFF  }
0xaf: {  	v1 =	vnsel vm0, $0xFFF, v1;
	_ =	sdelay $0x1  }
0xb0: {  	s21 =	sadd.s32 $0xFFFFFFA0, s20  }
0xb1: {  	v3 =	vadd.s32 s21, v0  }
0xb2: {  	s21 =	simm.s32 $0xBC00;
	v4 =	vsub.s32 $0x0, v3;
	[tilespmem:s18+$0x0] =	vst v2  }
0xb3: {  	v2 =	vmin.u32 v3, v4;
	v1 =	vld.idx.msk [tilespmem:v1+s3+$0x0], $0xffff  }
0xb4: {  	vm0 =	vlt.s32 v2, $0xFFF  }
0xb5: {  	v2 =	vnsel vm0, $0xFFF, v2;
	_ =	sdelay $0x1  }
0xb6: {  	s22 =	sadd.s32 $0xFFFFFFB0, s20  }
0xb7: {  	v3 =	vadd.s32 s22, v0;
	s18 =	sadd.s32 $0x80, s18  }
0xb8: {  	[tilespmem:s18+$0xFFFFFF90] =	vst v1;
	v1 =	vsub.s32 $0x0, v3  }
0xb9: {  	v2 =	vld.idx.msk [tilespmem:v2+s3+$0x0], $0xffff;
	v1 =	vmin.u32 v3, v1  }
0xba: {  	vm0 =	vlt.s32 v1, $0xFFF  }
0xbb: {  	v1 =	vnsel vm0, $0xFFF, v1;
	_ =	sdelay $0x1  }
0xbc: {  	s22 =	sadd.s32 $0xFFFFFFC0, s20  }
0xbd: {  	v3 =	vadd.s32 s22, v0  }
0xbe: {  	[tilespmem:s18+$0xFFFFFFA0] =	vst v2;
	v2 =	vsub.s32 $0x0, v3  }
0xbf: {  	v1 =	vld.idx.msk [tilespmem:v1+s3+$0x0], $0xffff;
	v2 =	vmin.u32 v3, v2  }
0xc0: {  	vm0 =	vlt.s32 v2, $0xFFF  }
0xc1: {  	v2 =	vnsel vm0, $0xFFF, v2;
	_ =	sdelay $0x1  }
0xc2: {  	s22 =	sadd.s32 $0xFFFFFFD0, s20  }
0xc3: {  	v3 =	vadd.s32 s22, v0  }
0xc4: {  	[tilespmem:s18+$0xFFFFFFB0] =	vst v1;
	v1 =	vsub.s32 $0x0, v3  }
0xc5: {  	v2 =	vld.idx.msk [tilespmem:v2+s3+$0x0], $0xffff;
	v1 =	vmin.u32 v3, v1  }
0xc6: {  	vm0 =	vlt.s32 v1, $0xFFF  }
0xc7: {  	v1 =	vnsel vm0, $0xFFF, v1;
	_ =	sdelay $0x1  }
0xc8: {  	s22 =	sadd.s32 $0xFFFFFFE0, s20  }
0xc9: {  	v3 =	vadd.s32 s22, v0  }
0xca: {  	[tilespmem:s18+$0xFFFFFFC0] =	vst v2;
	v2 =	vsub.s32 $0x0, v3  }
0xcb: {  	v1 =	vld.idx.msk [tilespmem:v1+s3+$0x0], $0xffff;
	v2 =	vmin.u32 v3, v2  }
0xcc: {  	vm0 =	vlt.s32 v2, $0xFFF  }
0xcd: {  	v2 =	vnsel vm0, $0xFFF, v2;
	_ =	sdelay $0x1  }
0xce: {  	s22 =	sadd.s32 $0xFFFFFFF0, s20  }
0xcf: {  	v3 =	vadd.s32 s22, v0  }
0xd0: {  	[tilespmem:s18+$0xFFFFFFD0] =	vst v1;
	v1 =	vsub.s32 $0x0, v3  }
0xd1: {  	v2 =	vld.idx.msk [tilespmem:v2+s3+$0x0], $0xffff;
	v1 =	vmin.u32 v3, v1  }
0xd2: {  	vm0 =	vlt.s32 v1, $0xFFF  }
0xd3: {  	v1 =	vnsel vm0, $0xFFF, v1;
	_ =	sdelay $0x2  }
0xd4: {  	v3 =	vadd.s32 s20, v0  }
.Ltmp2:
0xd5: {  	[tilespmem:s18+$0xFFFFFFE0] =	vst v2;
	v2 =	vsub.s32 $0x0, v3;
	(pc) =	sbr.rel @p0 .LBB2_6-.Ltmp2, $4  }
0xd6: {  	v1 =	vld.idx.msk [tilespmem:v1+s3+$0x0], $0xffff;
	v2 =	vmin.u32 v3, v2  }
0xd7: {  	vm0 =	vlt.s32 v2, $0xFFF  }
0xd8: {  	v2 =	vnsel vm0, $0xFFF, v2  }
0xd9: {  	s20 =	sadd.s32 $0x80, s20  }
0xda: {  	_ =	sdelay $0x2  }
0xdb: {  	[tilespmem:s18+$0xFFFFFFF0] =	vst v1  }
0xdc: {  	v1 =	vld.idx.msk [tilespmem:v2+s3+$0x0], $0xffff;
	_ =	sdelay $0x4  }
0xdd: {  	[tilespmem:s18+$0x0] =	vst v1;
	s18 =	smov.u32 s9  }
.LBB2_8:
0xde: {  	p0 =	sne.s32 s21, $0x7E00  }
.Ltmp3:
0xdf: {  	_ = 	snop;
	(pc) =	sbr.rel @p0 .LBB2_8-.Ltmp3, $4  }
0xe0: {  	s19 =	sshra.s32 s21, $0x2  }
0xe1: {  	s19 =	sadd.s32 $0x1000, s19  }
0xe2: {  	[hbm4b:s18+s14] =	stream.strided.scatter [tilespmem:s19], [sflag:$0x1], $0x1000, s15, s14, $0x38;
	[tilespmem:$0x8E00] =	vst v63  }
0xe3: {  	s21 =	sadd.s32 $0xFFFFFE00, s21;
	s18 =	sadd.s32 $0x10000, s18  }
0xe4: {  	s18 =	sadd.s32 $0x0, s5  }
0xe5: {  	s20 =	sxor.u32 $0x3F, s18  }
0xe6: {  	v1 =	vadd.s32 s20, v0  }
0xe7: {  	v2 =	vsub.s32 $0x0, v1  }
0xe8: {  	v1 =	vmin.u32 v1, v2  }
0xe9: {  	vm0 =	vlt.s32 v1, $0xFFF  }
0xea: {  	s21 =	sadd.s32 $0x0, s6;
	v1 =	vnsel vm0, $0xFFF, v1  }
0xeb: {  	s28 =	sadd.s32 $0x4F, s21  }
0xec: {  	v2 =	vadd.s32 s28, v0  }
0xed: {  	v3 =	vsub.s32 $0x0, v2  }
0xee: {  	s18 =	simm.s32 $0x0;
	v2 =	vmin.u32 v2, v3  }
0xef: {  	vm9 =	vlt.s32 v2, $0xFFF;
	v1 =	vld.idx.msk [tilespmem:v1+s18+$0x0], $0xffff  }
0xf0: {  	v2 =	vnsel vm9, $0xFFF, v2  }
0xf1: {  	s19 =	sadd.s32 $0x5F, s21  }
0xf2: {  	v3 =	vadd.s32 s19, v0  }
0xf3: {  	s19 =	simm.s32 $0x4F70;
	v4 =	vsub.s32 $0x0, v3  }
0xf4: {  	[tilespmem:s19+$0xFFFFFF90] =	vst v1;
	v1 =	vmin.u32 v3, v4  }
0xf5: {  	v2 =	vld.idx.msk [tilespmem:v2+s18+$0x0], $0xffff;
	vm10 =	vlt.s32 v1, $0xFFF  }
0xf6: {  	v1 =	vnsel vm10, $0xFFF, v1  }
0xf7: {  	s22 =	sadd.s32 $0x6F, s21  }
0xf8: {  	v3 =	vadd.s32 s22, v0  }
0xf9: {  	v59 =	vsub.s32 $0x0, v3  }
0xfa: {  	[tilespmem:s19+$0xFFFFFFA0] =	vst v2;
	v2 =	vmin.u32 v3, v59  }
0xfb: {  	v1 =	vld.idx.msk [tilespmem:v1+s18+$0x0], $0xffff;
	vm11 =	vlt.s32 v2, $0xFFF  }
0xfc: {  	v2 =	vnsel vm11, $0xFFF, v2  }
0xfd: {  	s20 =	sor.u32 $0x40, s20  }
0xfe: {  	v3 =	vadd.s32 s20, v0  }
0xff: {  	v60 =	vsub.s32 $0x0, v3  }
0x100: {  	[tilespmem:s19+$0xFFFFFFB0] =	vst v1;
	v1 =	vmin.u32 v3, v60  }
0x101: {  	v2 =	vld.idx.msk [tilespmem:v2+s18+$0x0], $0xffff;
	vm12 =	vlt.s32 v1, $0xFFF  }
0x102: {  	v1 =	vnsel vm12, $0xFFF, v1  }
0x103: {  	s29 =	sadd.s32 $0x8F, s21  }
0x104: {  	v3 =	vadd.s32 s29, v0  }
0x105: {  	v61 =	vsub.s32 $0x0, v3  }
0x106: {  	[tilespmem:s19+$0xFFFFFFC0] =	vst v2;
	v2 =	vmin.u32 v3, v61  }
0x107: {  	v1 =	vld.idx.msk [tilespmem:v1+s18+$0x0], $0xffff;
	vm13 =	vlt.s32 v2, $0xFFF  }
0x108: {  	v2 =	vnsel vm13, $0xFFF, v2  }
0x109: {  	s30 =	sadd.s32 $0x9F, s21  }
0x10a: {  	v3 =	vadd.s32 s30, v0  }
0x10b: {  	v62 =	vsub.s32 $0x0, v3  }
0x10c: {  	[tilespmem:s19+$0xFFFFFFD0] =	vst v1;
	v1 =	vmin.u32 v3, v62  }
0x10d: {  	v2 =	vld.idx.msk [tilespmem:v2+s18+$0x0], $0xffff;
	vm14 =	vlt.s32 v1, $0xFFF  }
0x10e: {  	v1 =	vnsel vm14, $0xFFF, v1  }
0x10f: {  	s31 =	sadd.s32 $0xAF, s21  }
0x110: {  	v3 =	vadd.s32 s31, v0  }
0x111: {  	v63 =	vsub.s32 $0x0, v3  }
0x112: {  	v3 =	vmin.u32 v3, v63;
	[tilespmem:s19+$0xFFFFFFE0] =	vst v2  }
0x113: {  	vm15 =	vlt.s32 v3, $0xFFF;
	v1 =	vld.idx.msk [tilespmem:v1+s18+$0x0], $0xffff  }
0x114: {  	s21 =	simm.s32 $0x80;
	s20 =	simm.s32 $0x0;
	v2 =	vnsel vm15, $0xFFF, v3  }
.LBB2_10:
0x115: {  	s22 =	sadd.s32 s21, s5;
	s20 =	sadd.s32 $0x8, s20  }
0x116: {  	s23 =	sxor.u32 $0x3F, s22;
	p0 =	slt.u32 s20, $0x1F0  }
0x117: {  	v3 =	vadd.s32 s23, v0  }
0x118: {  	v4 =	vsub.s32 $0x0, v3;
	[tilespmem:s19+$0xFFFFFFF0] =	vst v1  }
0x119: {  	v1 =	vmin.u32 v3, v4;
	v2 =	vld.idx.msk [tilespmem:v2+s18+$0x0], $0xffff  }
0x11a: {  	vm0 =	vlt.s32 v1, $0xFFF  }
0x11b: {  	v1 =	vnsel vm0, $0xFFF, v1  }
0x11c: {  	s22 =	sadd.s32 s21, s6  }
0x11d: {  	s24 =	sadd.s32 $0x4F, s22  }
0x11e: {  	v3 =	vadd.s32 s24, v0  }
0x11f: {  	v4 =	vsub.s32 $0x0, v3;
	[tilespmem:s19+$0x0] =	vst v2  }
0x120: {  	v2 =	vmin.u32 v3, v4;
	v1 =	vld.idx.msk [tilespmem:v1+s18+$0x0], $0xffff  }
0x121: {  	vm0 =	vlt.s32 v2, $0xFFF  }
0x122: {  	v2 =	vnsel vm0, $0xFFF, v2;
	_ =	sdelay $0x1  }
0x123: {  	s24 =	sadd.s32 $0x5F, s22  }
0x124: {  	v3 =	vadd.s32 s24, v0;
	s19 =	sadd.s32 $0x80, s19  }
0x125: {  	[tilespmem:s19+$0xFFFFFF90] =	vst v1;
	v1 =	vsub.s32 $0x0, v3  }
0x126: {  	v2 =	vld.idx.msk [tilespmem:v2+s18+$0x0], $0xffff;
	v1 =	vmin.u32 v3, v1  }
0x127: {  	vm0 =	vlt.s32 v1, $0xFFF  }
0x128: {  	v1 =	vnsel vm0, $0xFFF, v1;
	_ =	sdelay $0x1  }
0x129: {  	s24 =	sadd.s32 $0x6F, s22  }
0x12a: {  	v3 =	vadd.s32 s24, v0  }
0x12b: {  	[tilespmem:s19+$0xFFFFFFA0] =	vst v2;
	v2 =	vsub.s32 $0x0, v3  }
0x12c: {  	v1 =	vld.idx.msk [tilespmem:v1+s18+$0x0], $0xffff;
	v2 =	vmin.u32 v3, v2  }
0x12d: {  	vm0 =	vlt.s32 v2, $0xFFF  }
0x12e: {  	v2 =	vnsel vm0, $0xFFF, v2;
	_ =	sdelay $0x1  }
0x12f: {  	s23 =	sor.u32 $0x40, s23  }
0x130: {  	v3 =	vadd.s32 s23, v0  }
0x131: {  	[tilespmem:s19+$0xFFFFFFB0] =	vst v1;
	v1 =	vsub.s32 $0x0, v3  }
0x132: {  	v2 =	vld.idx.msk [tilespmem:v2+s18+$0x0], $0xffff;
	v1 =	vmin.u32 v3, v1  }
0x133: {  	vm0 =	vlt.s32 v1, $0xFFF  }
0x134: {  	v1 =	vnsel vm0, $0xFFF, v1;
	_ =	sdelay $0x1  }
0x135: {  	s23 =	sadd.s32 $0x8F, s22  }
0x136: {  	v3 =	vadd.s32 s23, v0  }
0x137: {  	[tilespmem:s19+$0xFFFFFFC0] =	vst v2;
	v2 =	vsub.s32 $0x0, v3  }
0x138: {  	v1 =	vld.idx.msk [tilespmem:v1+s18+$0x0], $0xffff;
	v2 =	vmin.u32 v3, v2  }
0x139: {  	vm0 =	vlt.s32 v2, $0xFFF  }
0x13a: {  	v2 =	vnsel vm0, $0xFFF, v2;
	_ =	sdelay $0x1  }
0x13b: {  	s23 =	sadd.s32 $0x9F, s22  }
0x13c: {  	v3 =	vadd.s32 s23, v0  }
0x13d: {  	[tilespmem:s19+$0xFFFFFFD0] =	vst v1;
	v1 =	vsub.s32 $0x0, v3  }
0x13e: {  	v2 =	vld.idx.msk [tilespmem:v2+s18+$0x0], $0xffff;
	v1 =	vmin.u32 v3, v1  }
0x13f: {  	vm0 =	vlt.s32 v1, $0xFFF  }
0x140: {  	v1 =	vnsel vm0, $0xFFF, v1;
	_ =	sdelay $0x1  }
0x141: {  	s22 =	sadd.s32 $0xAF, s22  }
.Ltmp4:
0x142: {  	v3 =	vadd.s32 s22, v0;
	(pc) =	sbr.rel @p0 .LBB2_10-.Ltmp4, $4  }
0x143: {  	[tilespmem:s19+$0xFFFFFFE0] =	vst v2;
	v2 =	vsub.s32 $0x0, v3  }
0x144: {  	v1 =	vld.idx.msk [tilespmem:v1+s18+$0x0], $0xffff;
	v2 =	vmin.u32 v3, v2  }
0x145: {  	vm0 =	vlt.s32 v2, $0xFFF  }
0x146: {  	s21 =	sadd.s32 $0x80, s21;
	v2 =	vnsel vm0, $0xFFF, v2  }
0x147: {  	_ =	sdelay $0x2  }
0x148: {  	[tilespmem:s19+$0xFFFFFFF0] =	vst v1  }
0x149: {  	v1 =	vld.idx.msk [tilespmem:v2+s18+$0x0], $0xffff;
	_ =	sdelay $0x4  }
0x14a: {  	[tilespmem:s19+$0x0] =	vst v1;
	s19 =	smov.u32 s10  }
.LBB2_12:
0x14b: {  	p0 =	sne.s32 s18, $0xFFFFC200  }
.Ltmp5:
0x14c: {  	_ = 	snop;
	(pc) =	sbr.rel @p0 .LBB2_12-.Ltmp5, $4  }
0x14d: {  	s20 =	sshra.s32 s18, $0x2  }
0x14e: {  	s20 =	sadd.s32 $0x5E80, s20  }
0x14f: {  	[hbm4b:s19+s14] =	stream.strided.scatter [tilespmem:s20], [sflag:$0x1], $0x1000, s15, s14, $0x38;
	[tilespmem:$0x8E00] =	vst v63  }
0x150: {  	s18 =	sadd.s32 $0xFFFFFE00, s18;
	s19 =	sadd.s32 $0x10000, s19  }
0x151: {  	s20 =	sxor.u32 $0x1F, s5  }
0x152: {  	v1 =	vadd.s32 s20, v0  }
0x153: {  	v2 =	vsub.s32 $0x0, v1  }
0x154: {  	v1 =	vmin.u32 v1, v2  }
0x155: {  	vm0 =	vlt.s32 v1, $0xFFF  }
0x156: {  	v1 =	vnsel vm0, $0xFFF, v1  }
0x157: {  	s18 =	sadd.s32 $0xFFFFFFA0, s11  }
0x158: {  	v2 =	vadd.s32 s18, v0  }
0x159: {  	v3 =	vsub.s32 $0x0, v2  }
0x15a: {  	s18 =	simm.s32 $0x0;
	v2 =	vmin.u32 v2, v3  }
0x15b: {  	vm9 =	vlt.s32 v2, $0xFFF;
	v1 =	vld.idx.msk [tilespmem:v1+s18+$0x0], $0xffff  }
0x15c: {  	v2 =	vnsel vm9, $0xFFF, v2  }
0x15d: {  	s19 =	sor.u32 $0x20, s20  }
0x15e: {  	v3 =	vadd.s32 s19, v0  }
0x15f: {  	s19 =	simm.s32 $0x6EF0;
	v4 =	vsub.s32 $0x0, v3  }
0x160: {  	[tilespmem:s19+$0xFFFFFF90] =	vst v1;
	v1 =	vmin.u32 v3, v4  }
0x161: {  	v2 =	vld.idx.msk [tilespmem:v2+s18+$0x0], $0xffff;
	vm10 =	vlt.s32 v1, $0xFFF  }
0x162: {  	v1 =	vnsel vm10, $0xFFF, v1  }
0x163: {  	s21 =	sadd.s32 $0xFFFFFFC0, s11  }
0x164: {  	v3 =	vadd.s32 s21, v0  }
0x165: {  	v59 =	vsub.s32 $0x0, v3  }
0x166: {  	[tilespmem:s19+$0xFFFFFFA0] =	vst v2;
	v2 =	vmin.u32 v3, v59  }
0x167: {  	v1 =	vld.idx.msk [tilespmem:v1+s18+$0x0], $0xffff;
	vm11 =	vlt.s32 v2, $0xFFF  }
0x168: {  	v2 =	vnsel vm11, $0xFFF, v2  }
0x169: {  	s30 =	sor.u32 $0x40, s20  }
0x16a: {  	v3 =	vadd.s32 s30, v0  }
0x16b: {  	v60 =	vsub.s32 $0x0, v3  }
0x16c: {  	[tilespmem:s19+$0xFFFFFFB0] =	vst v1;
	v1 =	vmin.u32 v3, v60  }
0x16d: {  	v2 =	vld.idx.msk [tilespmem:v2+s18+$0x0], $0xffff;
	vm12 =	vlt.s32 v1, $0xFFF  }
0x16e: {  	v1 =	vnsel vm12, $0xFFF, v1  }
0x16f: {  	s31 =	sadd.s32 $0xFFFFFFE0, s11  }
0x170: {  	v3 =	vadd.s32 s31, v0  }
0x171: {  	v61 =	vsub.s32 $0x0, v3  }
0x172: {  	[tilespmem:s19+$0xFFFFFFC0] =	vst v2;
	v2 =	vmin.u32 v3, v61  }
0x173: {  	v1 =	vld.idx.msk [tilespmem:v1+s18+$0x0], $0xffff;
	vm13 =	vlt.s32 v2, $0xFFF  }
0x174: {  	v2 =	vnsel vm13, $0xFFF, v2  }
0x175: {  	s20 =	sor.u32 $0x60, s20  }
0x176: {  	v3 =	vadd.s32 s20, v0  }
0x177: {  	v62 =	vsub.s32 $0x0, v3  }
0x178: {  	[tilespmem:s19+$0xFFFFFFD0] =	vst v1;
	v1 =	vmin.u32 v3, v62  }
0x179: {  	v2 =	vld.idx.msk [tilespmem:v2+s18+$0x0], $0xffff;
	vm14 =	vlt.s32 v1, $0xFFF  }
0x17a: {  	v1 =	vnsel vm14, $0xFFF, v1;
	_ =	sdelay $0x1  }
0x17b: {  	v3 =	vadd.s32 s11, v0  }
0x17c: {  	v63 =	vsub.s32 $0x0, v3  }
0x17d: {  	v3 =	vmin.u32 v3, v63;
	[tilespmem:s19+$0xFFFFFFE0] =	vst v2  }
0x17e: {  	vm15 =	vlt.s32 v3, $0xFFF;
	v1 =	vld.idx.msk [tilespmem:v1+s18+$0x0], $0xffff  }
0x17f: {  	v2 =	vnsel vm15, $0xFFF, v3  }
0x180: {  	s22 =	smov.u32 s11;
	s21 =	sadd.s32 $0x80, s5;
	s20 =	simm.s32 $0x0  }
.LBB2_14:
0x181: {  	s23 =	sxor.u32 $0x1F, s21;
	s20 =	sadd.s32 $0x8, s20  }
0x182: {  	v3 =	vadd.s32 s23, v0;
	p0 =	slt.u32 s20, $0x1F0  }
0x183: {  	v4 =	vsub.s32 $0x0, v3;
	[tilespmem:s19+$0xFFFFFFF0] =	vst v1  }
0x184: {  	v1 =	vmin.u32 v3, v4;
	v2 =	vld.idx.msk [tilespmem:v2+s18+$0x0], $0xffff  }
0x185: {  	vm0 =	vlt.s32 v1, $0xFFF  }
0x186: {  	v1 =	vnsel vm0, $0xFFF, v1  }
0x187: {  	s22 =	sadd.s32 $0x80, s22  }
0x188: {  	s24 =	sadd.s32 $0xFFFFFFA0, s22  }
0x189: {  	v3 =	vadd.s32 s24, v0  }
0x18a: {  	v4 =	vsub.s32 $0x0, v3;
	[tilespmem:s19+$0x0] =	vst v2  }
0x18b: {  	v2 =	vmin.u32 v3, v4;
	v1 =	vld.idx.msk [tilespmem:v1+s18+$0x0], $0xffff  }
0x18c: {  	vm0 =	vlt.s32 v2, $0xFFF  }
0x18d: {  	v2 =	vnsel vm0, $0xFFF, v2;
	_ =	sdelay $0x1  }
0x18e: {  	s24 =	sor.u32 $0x20, s23  }
0x18f: {  	v3 =	vadd.s32 s24, v0;
	s19 =	sadd.s32 $0x80, s19  }
0x190: {  	[tilespmem:s19+$0xFFFFFF90] =	vst v1;
	v1 =	vsub.s32 $0x0, v3  }
0x191: {  	v2 =	vld.idx.msk [tilespmem:v2+s18+$0x0], $0xffff;
	v1 =	vmin.u32 v3, v1  }
0x192: {  	vm0 =	vlt.s32 v1, $0xFFF  }
0x193: {  	v1 =	vnsel vm0, $0xFFF, v1;
	_ =	sdelay $0x1  }
0x194: {  	s24 =	sadd.s32 $0xFFFFFFC0, s22  }
0x195: {  	v3 =	vadd.s32 s24, v0  }
0x196: {  	[tilespmem:s19+$0xFFFFFFA0] =	vst v2;
	v2 =	vsub.s32 $0x0, v3  }
0x197: {  	v1 =	vld.idx.msk [tilespmem:v1+s18+$0x0], $0xffff;
	v2 =	vmin.u32 v3, v2  }
0x198: {  	vm0 =	vlt.s32 v2, $0xFFF  }
0x199: {  	v2 =	vnsel vm0, $0xFFF, v2;
	_ =	sdelay $0x1  }
0x19a: {  	s24 =	sor.u32 $0x40, s23  }
0x19b: {  	v3 =	vadd.s32 s24, v0  }
0x19c: {  	[tilespmem:s19+$0xFFFFFFB0] =	vst v1;
	v1 =	vsub.s32 $0x0, v3  }
0x19d: {  	v2 =	vld.idx.msk [tilespmem:v2+s18+$0x0], $0xffff;
	v1 =	vmin.u32 v3, v1  }
0x19e: {  	vm0 =	vlt.s32 v1, $0xFFF  }
0x19f: {  	v1 =	vnsel vm0, $0xFFF, v1;
	_ =	sdelay $0x1  }
0x1a0: {  	s24 =	sadd.s32 $0xFFFFFFE0, s22  }
0x1a1: {  	v3 =	vadd.s32 s24, v0  }
0x1a2: {  	[tilespmem:s19+$0xFFFFFFC0] =	vst v2;
	v2 =	vsub.s32 $0x0, v3  }
0x1a3: {  	v1 =	vld.idx.msk [tilespmem:v1+s18+$0x0], $0xffff;
	v2 =	vmin.u32 v3, v2  }
0x1a4: {  	vm0 =	vlt.s32 v2, $0xFFF  }
0x1a5: {  	v2 =	vnsel vm0, $0xFFF, v2;
	_ =	sdelay $0x1  }
0x1a6: {  	s23 =	sor.u32 $0x60, s23  }
0x1a7: {  	v3 =	vadd.s32 s23, v0  }
0x1a8: {  	[tilespmem:s19+$0xFFFFFFD0] =	vst v1;
	v1 =	vsub.s32 $0x0, v3  }
0x1a9: {  	v2 =	vld.idx.msk [tilespmem:v2+s18+$0x0], $0xffff;
	v1 =	vmin.u32 v3, v1  }
0x1aa: {  	vm0 =	vlt.s32 v1, $0xFFF  }
0x1ab: {  	v1 =	vnsel vm0, $0xFFF, v1;
	_ =	sdelay $0x2  }
0x1ac: {  	v3 =	vadd.s32 s22, v0  }
.Ltmp6:
0x1ad: {  	[tilespmem:s19+$0xFFFFFFE0] =	vst v2;
	v2 =	vsub.s32 $0x0, v3;
	(pc) =	sbr.rel @p0 .LBB2_14-.Ltmp6, $4  }
0x1ae: {  	v1 =	vld.idx.msk [tilespmem:v1+s18+$0x0], $0xffff;
	v2 =	vmin.u32 v3, v2  }
0x1af: {  	vm0 =	vlt.s32 v2, $0xFFF  }
0x1b0: {  	v2 =	vnsel vm0, $0xFFF, v2  }
0x1b1: {  	s21 =	sadd.s32 $0x80, s21  }
0x1b2: {  	_ =	sdelay $0x2  }
0x1b3: {  	[tilespmem:s19+$0xFFFFFFF0] =	vst v1  }
0x1b4: {  	v1 =	vld.idx.msk [tilespmem:v2+s18+$0x0], $0xffff;
	_ =	sdelay $0x3  }
0x1b5: {  	s31 =	simm.s32 $0x7E00  }
0x1b6: {  	s20 =	smov.u32 s12;
	s18 =	simm.s32 $0x80;
	[tilespmem:s19+$0x0] =	vst v1;
	s19 =	simm.s32 $0xFFFFFE00  }
0x1b7: {  	[hbm4b:s12+s18] =	stream.strided.scatter [tilespmem:s31], [sflag:$0x1], $0x1000, s15, s18, $0x38;
	[tilespmem:$0x8E00] =	vst v63  }
.LBB2_16:
0x1b8: {  	p0 =	sne.s32 s19, $0xFFFFC200  }
.Ltmp7:
0x1b9: {  	_ = 	snop;
	(pc) =	sbr.rel @p0 .LBB2_16-.Ltmp7, $4  }
0x1ba: {  	_ = 	snop  }
0x1bb: {  	s21 =	sshra.s32 s19, $0x2;
	s19 =	sadd.s32 $0xFFFFFE00, s19  }
0x1bc: {  	s20 =	sadd.s32 $0x10000, s20;
	s21 =	sadd.s32 $0x7E00, s21  }
0x1bd: {  	[hbm4b:s20+s18] =	stream.strided.scatter [tilespmem:s21], [sflag:$0x1], $0x1000, s15, s18, $0x38;
	[tilespmem:$0x8E00] =	vst v63  }
0x1be: {  	_ =	swait.ge [sflag:s16], $0x1000  }
0x1bf: {  	s18 =	simm.s32 $0x7F;
	[sflag:s16] =	ssyncset.done $0x0  }
.LBB2_18:
0x1c0: {  	p0 =	sne.s32 s18, $0x1;
	s18 =	sadd.s32 $0xFFFFFFFF, s18;
	[sflag:s16] =	ssyncadd.s32 $0xFFFFF000  }
.Ltmp8:
0x1c1: {  	(pc) =	sbr.rel @p0 .LBB2_18-.Ltmp8, $3  }
0x1c2: {  	_ =	sdelay $0x1  }
0x1c3: {  	_ =	swait.ge [sflag:s16], $0x1000  }
0x1c4: {  	[sflag:s16] =	ssyncset.done $0x0  }
0x1c5: {  	s17 =	sadd.s32 $0x1, s17  }
0x1c6: {  	p0 =	sne.s32 s17, s4  }
.Ltmp9:
0x1c7: {  	_ = 	snop;
	(pc) =	sbr.rel @p0 .LBB2_1-.Ltmp9, $2  }
0x1c8: {  	_ =	sdelay $0x2  }
0x1c9: {  	[sflag:s16] =	ssyncadd.s32 $0xFFFFF000  }
0x1ca: {  	_ =	sfence.sel $0x180000  }
0x1cb: {  	[bflag:$0x0] =	sbarrier.arrive $0xFFFF  }
0x1cc: {  	p0 =	sne.s32 s2, $0x0;
	_ =	strace $0x90000047  }
0x1cd: {  	s0 =	sadd.s32 @!p0 $0x100000, s0;
	[bflag:$0x2] =	sbarrier.arrive $0xFFFF  }
0x1ce: {  	[sflag:s0] =	ssyncadd.tile.s32 @!p0 $0x1;
	_ =	shalt  }
.Lfunc_end2:
_tile_overlayer_lowered:
.L_overlay_start_2:
0x1cf: {  	(tag) =	ssettag $0x2  }
0x1d0: {  	s0 =	rddreg [dreg:$0x0];
	s2 =	stileid.u32  }
0x1d1: {  	s1 =	rddreg [dreg:$0x1];
	p0 =	sne.s32 s2, $0x0  }
0x1d2: {  	s3 =	rddreg [dreg:$0x2];
	[bflag:$0x3] =	sbarrier.arrive $0xFFFF;
	s2 =	simm.s32 @!p0 $0x1C02  }
0x1d3: {  	[timem:s3], [sflag:s2] =	dma.local @!p0 [hbm:s0], s1  }
0x1d4: {  	s0 =	simm.s32 @!p0 $0x2  }
0x1d5: {  	_ =	swait.ge @!p0 [sflag:s0], s1  }
0x1d6: {  	s1 =	ssub.s32 @!p0 $0x0, s1;
	[sflag:s0] =	ssyncset.done @!p0 $0x0  }
0x1d7: {  	[sflag:s0] =	ssyncadd.s32 @!p0 s1  }
0x1d8: {  	[bflag:$0x3] =	sbarrier.arrive $0xFFFF  }
0x1d9: {  	_ =	shalt  }

</sc_bundles>
